<compile_context>
chip_gen: v7x
topology: tpu7x:2x2x1
jax: 0.10.2.dev20260603
libtpu: 0.0.44.dev20260713+nightly
codegen_flags: <defaults>
</compile_context>

<pallas_src>
import functools

import jax
import jax.numpy as jnp
from jax import lax
from jax.experimental import pallas as pl
from jax.experimental.pallas import tpu as pltpu
from jax.experimental.pallas import tpu_sc as plsc

B = 32
V = 100000
K = 64
L = 16
NCHUNK = V // L
NBKT1 = 8192
NBKT2 = 2048
NBKT3 = 256
CAP = 512
TEMP = 0.7
TOP_P = 0.95
NEG_INF = float("-inf")


def _iota():
    return lax.iota(jnp.int32, L)


def _extract(vec, j):
    return jnp.sum(jnp.where(_iota() == j, vec, jnp.zeros_like(vec)))


def _scalar0(vec):
    return _extract(vec, 0)


def _key16(x):
    bits = plsc.bitcast(x, jnp.int32)
    return jnp.where(bits < 0, bits ^ jnp.int32(0x7FFFFFFF), bits)


def _zero_hist(hist, nvregs):
    def zbody(j):
        hist[pl.ds(j * L, L)] = jnp.zeros((L,), jnp.int32)

    plsc.parallel_loop(0, nvregs, unroll=8)(zbody)


def _scan_top(hist, v_start, acc0, target):

    def cond(st):
        v, _, found, _, _ = st
        return jnp.logical_and(jnp.logical_not(found), v >= 0)

    def body(st):
        v, acc, _, b, ca = st
        h = hist[pl.ds(v * L, L)]
        srev = plsc.cumsum(lax.rev(h, (0,)))
        m = srev >= (target - acc)
        has = _scalar0(plsc.all_reduce_population_count(m)) > 0
        j0 = _scalar0(plsc.all_reduce_ffs(m))
        bl = (L - 1) - j0
        s_j0 = _extract(srev, j0)
        h_bl = _extract(h, bl)
        tot = _extract(srev, L - 1)
        b_new = v * L + bl
        ca_new = acc + s_j0 - h_bl
        return (
            v - 1,
            jnp.where(has, acc, acc + tot),
            has,
            jnp.where(has, b_new, b),
            jnp.where(has, ca_new, ca),
        )

    _, _, _, b, ca = lax.while_loop(
        cond, body, (v_start, acc0, False, jnp.int32(0), jnp.int32(0))
    )
    return b, ca


def _body(logits_hbm, probs_out, idx_out, data, hist, cvals, cidx,
          selx, oprob, oidx, sem0, sem1, sem2, sem3):
    nc = plsc.get_sparse_core_info().num_cores
    wid = lax.axis_index("s") * nc + lax.axis_index("c")

    row_copy = pltpu.async_copy(logits_hbm.at[wid], data, sem0)
    _zero_hist(hist, NBKT1 // L)
    row_copy.wait()

    def p1_body(i, mx):
        x = data[pl.ds(i * L, L)]
        key = _key16(x)
        bkt = (key >> 19) + jnp.int32(NBKT1 // 2)
        plsc.addupdate_scatter(hist, [bkt], jnp.ones((L,), jnp.int32))
        return jnp.maximum(mx, x)

    mx = plsc.parallel_loop(
        0, NCHUNK, unroll=8, carry=jnp.full((L,), NEG_INF, jnp.float32)
    )(p1_body)
    m_val = jnp.max(mx)
    m_y = jnp.full((L,), m_val) / jnp.full((L,), TEMP, jnp.float32)

    kmax = jnp.where(
        plsc.bitcast(jnp.full((L,), m_val), jnp.int32) < 0,
        plsc.bitcast(jnp.full((L,), m_val), jnp.int32) ^ jnp.int32(0x7FFFFFFF),
        plsc.bitcast(jnp.full((L,), m_val), jnp.int32),
    )
    kmax0 = _scalar0(kmax)
    v_start1 = ((kmax0 >> 19) + jnp.int32(NBKT1 // 2)) // L
    b1, ca1 = _scan_top(hist, v_start1, jnp.int32(0), jnp.int32(K))
    p1 = b1 - jnp.int32(NBKT1 // 2)
    n1 = ca1 + _extract(hist[pl.ds((b1 // L) * L, L)], b1 % L)

    def level23(_):
        _zero_hist(hist, NBKT2 // L)

        def h2_body(i, _):
            x = data[pl.ds(i * L, L)]
            key = _key16(x)
            sel = (key >> 19) == p1
            bkt = (key >> 8) & jnp.int32(0x7FF)
            plsc.addupdate_scatter(
                hist, [bkt], jnp.ones((L,), jnp.int32), mask=sel
            )
            return 0

        lax.fori_loop(0, NCHUNK, h2_body, 0)
        b2, ca2 = _scan_top(hist, jnp.int32(NBKT2 // L - 1), ca1, jnp.int32(K))
        n2 = ca2 + _extract(hist[pl.ds((b2 // L) * L, L)], b2 % L)
        t2 = (p1 << 19) | (b2 << 8)

        def level3(_):
            _zero_hist(hist, NBKT3 // L)
            pfx2 = (p1 << 11) | b2

            def h3_body(i, _):
                x = data[pl.ds(i * L, L)]
                key = _key16(x)
                sel = (key >> 8) == pfx2
                bkt = key & jnp.int32(0xFF)
                plsc.addupdate_scatter(
                    hist, [bkt], jnp.ones((L,), jnp.int32), mask=sel
                )
                return 0

            lax.fori_loop(0, NCHUNK, h3_body, 0)
            b3, ca3 = _scan_top(
                hist, jnp.int32(NBKT3 // L - 1), ca2, jnp.int32(K)
            )
            t_eq = t2 | b3
            return t_eq + jnp.int32(1), jnp.bool_(True), t_eq

        return lax.cond(
            n2 <= CAP,
            lambda _: (t2, jnp.bool_(False), jnp.int32(0)),
            level3,
            0,
        )

    thresh, need_eq, t_eq = lax.cond(
        n1 <= CAP,
        lambda _: (p1 << 19, jnp.bool_(False), jnp.int32(0)),
        level23,
        0,
    )

    tempv = jnp.full((L,), TEMP, jnp.float32)

    def p2_body(i, carry):
        ssum, cntv = carry
        x = data[pl.ds(i * L, L)]
        ssum = ssum + jnp.exp(x / tempv - m_y)
        key = _key16(x)
        m = key >= thresh
        inc = plsc.cumsum(jnp.where(m, jnp.int32(1), jnp.int32(0)))
        pos = cntv + inc - 1
        plsc.store_scatter(cvals, [pos], x, mask=m)
        plsc.store_scatter(cidx, [pos], i * L + _iota(), mask=m)
        cntv = cntv + plsc.all_reduce_population_count(m)
        return ssum, cntv

    ssum, cntv = plsc.parallel_loop(
        0, NCHUNK, unroll=8,
        carry=(jnp.zeros((L,), jnp.float32), jnp.zeros((L,), jnp.int32)),
    )(p2_body)
    s_val = jnp.sum(ssum)
    cnt = _scalar0(cntv)

    def eq_phase(cnt0):
        def cond(st):
            i, cnt = st
            return jnp.logical_and(i < NCHUNK, cnt < K)

        def body(st):
            i, cnt = st
            x = data[pl.ds(i * L, L)]
            key = _key16(x)
            m = key == t_eq
            inc = plsc.cumsum(jnp.where(m, jnp.int32(1), jnp.int32(0)))
            pos = cnt + inc - 1
            plsc.store_scatter(cvals, [pos], x, mask=m)
            plsc.store_scatter(cidx, [pos], i * L + _iota(), mask=m)
            cnt = cnt + _scalar0(plsc.all_reduce_population_count(m))
            return i + 1, cnt

        _, cnt1 = lax.while_loop(cond, body, (jnp.int32(0), cnt0))
        return cnt1

    cnt = lax.cond(need_eq, eq_phase, lambda c: c, cnt)

    nv = (cnt + L - 1) // L

    def pad_body(j, _):
        v = cvals[pl.ds(j * L, L)]
        posn = j * L + _iota()
        cvals[pl.ds(j * L, L)] = jnp.where(
            posn >= cnt, jnp.full((L,), NEG_INF, jnp.float32), v
        )
        return 0

    lax.fori_loop(0, nv, pad_body, 0)

    lane0 = _iota() == 0

    def sel_body(k, _):
        def scan_body(j, st):
            mvec, jvec = st
            v = cvals[pl.ds(j * L, L)]
            gt = v > mvec
            return jnp.where(gt, v, mvec), jnp.where(gt, j, jvec)

        mvec, jvec = lax.fori_loop(
            0, nv, scan_body,
            (jnp.full((L,), NEG_INF, jnp.float32), jnp.zeros((L,), jnp.int32)),
        )
        mval = jnp.max(mvec)
        posn = jvec * L + _iota()
        pos = jnp.min(
            jnp.where(mvec == mval, posn, jnp.int32(2 ** 30))
        )
        posv = jnp.zeros((L,), jnp.int32) + pos
        gidx = plsc.load_gather(cidx, [posv])
        plsc.store_scatter(
            cvals, [posv], jnp.full((L,), NEG_INF, jnp.float32), mask=lane0
        )
        kv = jnp.zeros((L,), jnp.int32) + k
        plsc.store_scatter(selx, [kv], jnp.full((L,), 0.0) + mval, mask=lane0)
        plsc.store_scatter(oidx, [kv], gidx, mask=lane0)
        return 0

    lax.fori_loop(0, K, sel_body, 0)

    carry = jnp.float32(0.0)
    psum = jnp.zeros((L,), jnp.float32)
    s_vec = jnp.zeros((L,), jnp.float32) + s_val
    for t in range(K // L):
        xv = selx[pl.ds(t * L, L)]
        p = jnp.exp(xv / tempv - m_y) / s_vec
        c = plsc.cumsum(p) + carry
        carry = _extract(c, L - 1)
        p = jnp.where((c - p) > TOP_P, jnp.float32(0.0), p)
        psum = psum + p
        oprob[pl.ds(t * L, L)] = p
    tot_vec = jnp.zeros((L,), jnp.float32) + jnp.sum(psum)
    for t in range(K // L):
        oprob[pl.ds(t * L, L)] = oprob[pl.ds(t * L, L)] / tot_vec

    pltpu.sync_copy(oprob, probs_out.at[pl.ds(wid * K, K)])
    pltpu.sync_copy(oidx, idx_out.at[pl.ds(wid * K, K)])


@jax.jit
def _sc_topk_sample(x2d):
    mesh = plsc.VectorSubcoreMesh(core_axis_name="c", subcore_axis_name="s")
    fn = pl.kernel(
        _body,
        out_type=[
            jax.ShapeDtypeStruct((B * K,), jnp.float32),
            jax.ShapeDtypeStruct((B * K,), jnp.int32),
        ],
        mesh=mesh,
        scratch_types=[
            pltpu.VMEM((V,), jnp.float32),
            pltpu.VMEM((NBKT1,), jnp.int32),
            pltpu.VMEM((CAP,), jnp.float32),
            pltpu.VMEM((CAP,), jnp.int32),
            pltpu.VMEM((K,), jnp.float32),
            pltpu.VMEM((K,), jnp.float32),
            pltpu.VMEM((K,), jnp.int32),
            pltpu.SemaphoreType.DMA,
            pltpu.SemaphoreType.DMA,
            pltpu.SemaphoreType.DMA,
            pltpu.SemaphoreType.DMA,
        ],
        name="sc_topk_sampler",
        compiler_params=pltpu.CompilerParams(
            needs_layout_passes=False, use_tc_tiling_on_sc=True
        ),
    )
    pr, ix = fn(x2d)
    return pr.reshape(B, K), ix.reshape(B, K)


def kernel(logits):
    x = logits[:, -1]
    probs_sorted, indices = _sc_topk_sample(x)
    skey = jax.random.fold_in(jax.random.key(42), 0)
    next_token = jax.random.categorical(skey, logits=jnp.log(probs_sorted))
    next_token = jnp.take_along_axis(indices, next_token[..., None], axis=-1)
    next_token = jnp.squeeze(next_token, axis=-1)
    return next_token, probs_sorted

# --- scband reference (transcript-rebuilt; emitter-appended) ---
"""Pipeline reference for scband-sampler-73813307949336 (READ-ONLY COPY).

The authoritative reference and input builder live on the scoring server;
editing this copy changes nothing except your own understanding.
"""

import jax, jax.numpy as jnp
import numpy as np

TEMPERATURE = 0.7
TOP_P = 0.95
TOP_K = 64


def setup_inputs(seed: int = 0) -> dict:
    key = jax.random.key(seed)
    logits = jax.random.normal(key, (32, 1, 100000), dtype=jnp.float32) * 2.0
    return {"logits": logits}


def reference(logits):
    # Faithful translation of Sampler's top-p sampling path:
    # sample_top_p(logits, key, temperature, top_p, top_k) -> _sample_top_p
    probs = jax.nn.softmax(logits[:, -1] / TEMPERATURE, axis=-1)
    probs_sorted, indices = jax.lax.top_k(probs, k=TOP_K)
    cumsum_probs = jnp.cumsum(probs_sorted, axis=-1)
    mask = cumsum_probs - probs_sorted > TOP_P
    probs_sorted = jnp.where(mask, 0.0, probs_sorted)
    probs_sorted = probs_sorted / jnp.sum(probs_sorted, axis=-1, keepdims=True)
    # key = fold_in(seed, decoding_step) in the original; decoding_step=0 here
    skey = jax.random.fold_in(jax.random.key(42), 0)
    next_token = jax.random.categorical(skey, logits=jnp.log(probs_sorted))
    next_token = jnp.take_along_axis(indices, next_token[..., None], axis=-1)
    next_token = jnp.squeeze(next_token, axis=-1)
    return next_token, probs_sorted

if __name__ == "__main__":
    import jax
    _d = setup_inputs()
    print(jax.jit(kernel)(*tuple(_d.values())))

</pallas_src>

<mosaic_0001>
#map = affine_map<(d0, d1) -> (0, 0)>
#map1 = affine_map<(d0, d1) -> (0)>
module attributes {stable_mosaic.version = 14 : i64} {
  func.func @sc_topk_sampler(%arg0: i32, %arg1: i32, %arg2: memref<32x100000xf32, #tpu.memory_space<hbm>>, %arg3: memref<2048xf32, #tpu.memory_space<hbm>>, %arg4: memref<2048xi32, #tpu.memory_space<hbm>>, %arg5: memref<100000xf32, #tpu.memory_space<vmem>>, %arg6: memref<8192xi32, #tpu.memory_space<vmem>>, %arg7: memref<512xf32, #tpu.memory_space<vmem>>, %arg8: memref<512xi32, #tpu.memory_space<vmem>>, %arg9: memref<64xf32, #tpu.memory_space<vmem>>, %arg10: memref<64xf32, #tpu.memory_space<vmem>>, %arg11: memref<64xi32, #tpu.memory_space<vmem>>, %arg12: memref<!tpu.dma_semaphore, #tpu.memory_space<semaphore_mem>>, %arg13: memref<!tpu.dma_semaphore, #tpu.memory_space<semaphore_mem>>, %arg14: memref<!tpu.dma_semaphore, #tpu.memory_space<semaphore_mem>>, %arg15: memref<!tpu.dma_semaphore, #tpu.memory_space<semaphore_mem>>) attributes {dimension_semantics = [#tpu.dimension_semantics<core_parallel>, #tpu.dimension_semantics<subcore_parallel>], iteration_bounds = array<i64: 2, 16>, scalar_prefetch = 0 : i64, scratch_operands = 11 : i64, tpu.core_type = #tpu.core_type<sc_vector_subcore>, window_params = [{transform_indices = #map}, {transform_indices = #map1}, {transform_indices = #map1}]} {
    %mul3A = arith.constant 2 : i32
    %mul3A_0 = arith.muli %arg1, %mul3A : i32
    %add3A = arith.addi %mul3A_0, %arg0 : i32
    %dma_start3A = arith.constant 0 : i32
    %dma_start3A_1 = tpu.memref_slice %arg2[%add3A, %dma_start3A] : memref<32x100000xf32, #tpu.memory_space<hbm>> -> memref<1x100000xf32, #tpu.memory_space<hbm>>
    %dma_start3A_2 = tpu.memref_squeeze %dma_start3A_1 : memref<1x100000xf32, #tpu.memory_space<hbm>> -> memref<100000xf32, #tpu.memory_space<hbm>>
    %dma_start3A_3 = arith.constant 0 : i32
    %dma_start3A_4 = tpu.memref_slice %arg2[%add3A, %dma_start3A_3] : memref<32x100000xf32, #tpu.memory_space<hbm>> -> memref<1x100000xf32, #tpu.memory_space<hbm>>
    %dma_start3A_5 = tpu.memref_squeeze %dma_start3A_4 : memref<1x100000xf32, #tpu.memory_space<hbm>> -> memref<100000xf32, #tpu.memory_space<hbm>>
    tpu.enqueue_dma source(%dma_start3A_5 : memref<100000xf32, #tpu.memory_space<hbm>>) target(%arg5 : memref<100000xf32, #tpu.memory_space<vmem>>) target_semaphore(%arg12 : memref<!tpu.dma_semaphore, #tpu.memory_space<semaphore_mem>>)
    %parallel_loop3A = arith.constant 0 : i32
    %parallel_loop3A_6 = arith.constant 512 : i32
    %parallel_loop3A_7 = arith.constant 1 : i32
    scf.for %parallel_loop3A_369 = %parallel_loop3A to %parallel_loop3A_6 step %parallel_loop3A_7  : i32 {
      %parallel_loop3A_370 = arith.constant 0 : i32
      %parallel_loop3A_371 = vector.broadcast %parallel_loop3A_370 : i32 to vector<16xi32>
      %parallel_loop3A_372 = arith.constant 16 : i32
      %parallel_loop3A_373 = arith.muli %parallel_loop3A_369, %parallel_loop3A_372 : i32
      %parallel_loop3A_374 = arith.index_cast %parallel_loop3A_373 : i32 to index
      %parallel_loop3A_375 = tpu.vector_load %arg6[%parallel_loop3A_374] {strides = array<i32>} : memref<8192xi32, #tpu.memory_space<vmem>>, vector<16xi32>,
      tpu.vector_store %arg6[%parallel_loop3A_374], %parallel_loop3A_371 {strides = array<i32>} : memref<8192xi32, #tpu.memory_space<vmem>>, vector<16xi32>,
    } {sc.loop_unroll_factor = 8 : i64, sc.parallel_access}
    %dma_wait3A = arith.constant 0 : i32
    %dma_wait3A_8 = tpu.memref_slice %arg2[%add3A, %dma_wait3A] : memref<32x100000xf32, #tpu.memory_space<hbm>> -> memref<1x100000xf32, #tpu.memory_space<hbm>>
    %dma_wait3A_9 = tpu.memref_squeeze %dma_wait3A_8 : memref<1x100000xf32, #tpu.memory_space<hbm>> -> memref<100000xf32, #tpu.memory_space<hbm>>
    %dma_wait3A_10 = arith.constant 0 : i32
    %dma_wait3A_11 = tpu.memref_slice %arg2[%add3A, %dma_wait3A_10] : memref<32x100000xf32, #tpu.memory_space<hbm>> -> memref<1x100000xf32, #tpu.memory_space<hbm>>
    %dma_wait3A_12 = tpu.memref_squeeze %dma_wait3A_11 : memref<1x100000xf32, #tpu.memory_space<hbm>> -> memref<100000xf32, #tpu.memory_space<hbm>>
    tpu.wait_dma2 semaphore(%arg12 : memref<!tpu.dma_semaphore, #tpu.memory_space<semaphore_mem>>) src(%dma_wait3A_12 : memref<100000xf32, #tpu.memory_space<hbm>>) dst(%arg5 : memref<100000xf32, #tpu.memory_space<vmem>>)
    %broadcast_in_dim3A = arith.constant 0xFF800000 : f32
    %broadcast_in_dim3A_13 = vector.broadcast %broadcast_in_dim3A : f32 to vector<16xf32>
    %parallel_loop3A_14 = arith.constant 0 : i32
    %parallel_loop3A_15 = arith.constant 6250 : i32
    %parallel_loop3A_16 = arith.constant 1 : i32
    %parallel_loop3A_17 = scf.for %parallel_loop3A_369 = %parallel_loop3A_14 to %parallel_loop3A_15 step %parallel_loop3A_16 iter_args(%parallel_loop3A_370 = %broadcast_in_dim3A_13) -> (vector<16xf32>)  : i32 {
      %parallel_loop3A_371 = arith.constant 16 : i32
      %parallel_loop3A_372 = arith.muli %parallel_loop3A_369, %parallel_loop3A_371 : i32
      %parallel_loop3A_373 = arith.index_cast %parallel_loop3A_372 : i32 to index
      %parallel_loop3A_374 = tpu.vector_load %arg5[%parallel_loop3A_373] {strides = array<i32>} : memref<100000xf32, #tpu.memory_space<vmem>>, vector<16xf32>,
      %parallel_loop3A_375 = vector.bitcast %parallel_loop3A_374 : vector<16xf32> to vector<16xi32>
      %parallel_loop3A_376 = arith.constant 0 : i32
      %parallel_loop3A_377 = vector.broadcast %parallel_loop3A_376 : i32 to vector<16xi32>
      %parallel_loop3A_378 = arith.cmpi slt, %parallel_loop3A_375, %parallel_loop3A_377 : vector<16xi32>
      %parallel_loop3A_379 = arith.constant 2147483647 : i32
      %parallel_loop3A_380 = vector.broadcast %parallel_loop3A_379 : i32 to vector<16xi32>
      %parallel_loop3A_381 = arith.xori %parallel_loop3A_375, %parallel_loop3A_380 : vector<16xi32>
      %parallel_loop3A_382 = arith.select %parallel_loop3A_378, %parallel_loop3A_381, %parallel_loop3A_375 : vector<16xi1>, vector<16xi32>
      %parallel_loop3A_383 = arith.constant 19 : i32
      %parallel_loop3A_384 = vector.broadcast %parallel_loop3A_383 : i32 to vector<16xi32>
      %parallel_loop3A_385 = arith.shrsi %parallel_loop3A_382, %parallel_loop3A_384 : vector<16xi32>
      %parallel_loop3A_386 = arith.constant 4096 : i32
      %parallel_loop3A_387 = vector.broadcast %parallel_loop3A_386 : i32 to vector<16xi32>
      %parallel_loop3A_388 = arith.addi %parallel_loop3A_385, %parallel_loop3A_387 : vector<16xi32>
      %parallel_loop3A_389 = arith.constant 1 : i32
      %parallel_loop3A_390 = vector.broadcast %parallel_loop3A_389 : i32 to vector<16xi32>
      tpu.vector_store_idx %arg6[%parallel_loop3A_388], %parallel_loop3A_390 {add = true} : memref<8192xi32, #tpu.memory_space<vmem>>[vector<16xi32>], vector<16xi32>,
      %parallel_loop3A_391 = arith.maximumf %parallel_loop3A_370, %parallel_loop3A_374 : vector<16xf32>
      scf.yield %parallel_loop3A_391 : vector<16xf32>
    } {sc.loop_unroll_factor = 8 : i64, sc.parallel_access}
    %reduce_max3A = arith.constant true
    %reduce_max3A_18 = vector.broadcast %reduce_max3A : i1 to vector<16xi1>
    %reduce_max3A_19 = tpu.scan <max>, %parallel_loop3A_17 masked %reduce_max3A_18 : vector<16xf32>, vector<16xi1> -> vector<16xf32>
    %reduce_max3A_20 = vector.extract %reduce_max3A_19[15] : f32 from vector<16xf32>
    %broadcast_in_dim3A_21 = vector.broadcast %reduce_max3A_20 : f32 to vector<16xf32>
    %broadcast_in_dim3A_22 = arith.constant 0.699999988 : f32
    %broadcast_in_dim3A_23 = vector.broadcast %broadcast_in_dim3A_22 : f32 to vector<16xf32>
    %div3A = arith.divf %broadcast_in_dim3A_21, %broadcast_in_dim3A_23 : vector<16xf32>
    %broadcast_in_dim3A_24 = vector.broadcast %reduce_max3A_20 : f32 to vector<16xf32>
    %bitcast3A = vector.bitcast %broadcast_in_dim3A_24 : vector<16xf32> to vector<16xi32>
    %lt3A = arith.constant 0 : i32
    %lt3A_25 = vector.broadcast %lt3A : i32 to vector<16xi32>
    %lt3A_26 = arith.cmpi slt, %bitcast3A, %lt3A_25 : vector<16xi32>
    %broadcast_in_dim3A_27 = vector.broadcast %reduce_max3A_20 : f32 to vector<16xf32>
    %bitcast3A_28 = vector.bitcast %broadcast_in_dim3A_27 : vector<16xf32> to vector<16xi32>
    %xor3A = arith.constant 2147483647 : i32
    %xor3A_29 = vector.broadcast %xor3A : i32 to vector<16xi32>
    %xor3A_30 = arith.xori %bitcast3A_28, %xor3A_29 : vector<16xi32>
    %broadcast_in_dim3A_31 = vector.broadcast %reduce_max3A_20 : f32 to vector<16xf32>
    %bitcast3A_32 = vector.bitcast %broadcast_in_dim3A_31 : vector<16xf32> to vector<16xi32>
    %select_n3A = arith.select %lt3A_26, %xor3A_30, %bitcast3A_32 : vector<16xi1>, vector<16xi32>
    %iota3A = tpu.iota {dimensions = array<i32: 0>} : vector<16xi32>
    %eq3A = arith.constant 0 : i32
    %eq3A_33 = vector.broadcast %eq3A : i32 to vector<16xi32>
    %eq3A_34 = arith.cmpi eq, %iota3A, %eq3A_33 : vector<16xi32>
    %broadcast_in_dim3A_35 = arith.constant 0 : i32
    %broadcast_in_dim3A_36 = vector.broadcast %broadcast_in_dim3A_35 : i32 to vector<16xi32>
    %select_n3A_37 = arith.select %eq3A_34, %select_n3A, %broadcast_in_dim3A_36 : vector<16xi1>, vector<16xi32>
    %reduce_sum3A = arith.constant true
    %reduce_sum3A_38 = vector.broadcast %reduce_sum3A : i1 to vector<16xi1>
    %reduce_sum3A_39 = tpu.scan <sum>, %select_n3A_37 masked %reduce_sum3A_38 : vector<16xi32>, vector<16xi1> -> vector<16xi32>
    %reduce_sum3A_40 = vector.extract %reduce_sum3A_39[15] : i32 from vector<16xi32>
    %shift_right_arithmetic3A = arith.constant 19 : i32
    %shift_right_arithmetic3A_41 = arith.shrsi %reduce_sum3A_40, %shift_right_arithmetic3A : i32
    %add3A_42 = arith.constant 4096 : i32
    %add3A_43 = arith.addi %shift_right_arithmetic3A_41, %add3A_42 : i32
    %jit3A = arith.constant 16 : i32
    %div3A_44 = arith.divsi %add3A_43, %jit3A : i32
    %sign3A = arith.constant 0 : i32
    %sign3A_45 = arith.cmpi sgt, %add3A_43, %sign3A : i32
    %sign3A_46 = arith.extui %sign3A_45 : i1 to i32
    %sign3A_47 = arith.constant 0 : i32
    %sign3A_48 = arith.cmpi slt, %add3A_43, %sign3A_47 : i32
    %sign3A_49 = arith.extui %sign3A_48 : i1 to i32
    %sign3A_50 = arith.subi %sign3A_46, %sign3A_49 : i32
    %sign3A_51 = arith.constant 0 : i32
    %sign3A_52 = arith.cmpi sgt, %jit3A, %sign3A_51 : i32
    %sign3A_53 = arith.extui %sign3A_52 : i1 to i32
    %sign3A_54 = arith.constant 0 : i32
    %sign3A_55 = arith.cmpi slt, %jit3A, %sign3A_54 : i32
    %sign3A_56 = arith.extui %sign3A_55 : i1 to i32
    %sign3A_57 = arith.subi %sign3A_53, %sign3A_56 : i32
    %ne3A = arith.cmpi ne, %sign3A_50, %sign3A_57 : i32
    %rem3A = arith.remsi %add3A_43, %jit3A : i32
    %ne3A_58 = arith.constant 0 : i32
    %ne3A_59 = arith.cmpi ne, %rem3A, %ne3A_58 : i32
    %and3A = arith.andi %ne3A, %ne3A_59 : i1
    %sub3A = arith.constant 1 : i32
    %sub3A_60 = arith.subi %div3A_44, %sub3A : i32
    %select_n3A_61 = arith.select %and3A, %sub3A_60, %div3A_44 : i32
    %while3A = arith.constant 64 : i32
    %while3A_62 = arith.constant 0 : i32
    %while3A_63 = arith.constant false
    %while3A_64 = arith.constant 0 : i32
    %while3A_65 = arith.constant 0 : i32
    %while3A_66:5 = scf.while (%while3A_369 = %select_n3A_61, %while3A_370 = %while3A_62, %while3A_371 = %while3A_63, %while3A_372 = %while3A_64, %while3A_373 = %while3A_65) : (i32, i32, i1, i32, i32) -> (i32, i32, i1, i32, i32) {
      %not3A = arith.constant true
      %not3A_374 = arith.xori %while3A_371, %not3A : i1
      %ge3A = arith.constant 0 : i32
      %ge3A_375 = arith.cmpi sge, %while3A_369, %ge3A : i32
      %and3A_376 = arith.andi %not3A_374, %ge3A_375 : i1
      scf.condition(%and3A_376) %while3A_369, %while3A_370, %while3A_371, %while3A_372, %while3A_373 : i32, i32, i1, i32, i32
    } do {
    ^bb0(%while3A_369: i32, %while3A_370: i32, %while3A_371: i1, %while3A_372: i32, %while3A_373: i32):
      %mul3A_374 = arith.constant 16 : i32
      %mul3A_375 = arith.muli %while3A_369, %mul3A_374 : i32
      %get3A_376 = arith.index_cast %mul3A_375 : i32 to index
      %get3A_377 = tpu.vector_load %arg6[%get3A_376] {strides = array<i32>} : memref<8192xi32, #tpu.memory_space<vmem>>, vector<16xi32>,
      %rev3A = arith.constant 15 : i32
      %rev3A_378 = vector.broadcast %rev3A : i32 to vector<16xi32>
      %rev3A_379 = tpu.iota {dimensions = array<i32: 0>} : vector<16xi32>
      %rev3A_380 = arith.subi %rev3A_378, %rev3A_379 : vector<16xi32>
      %rev3A_381 = tpu.dynamic_gather %get3A_377[%rev3A_380] in [0] : vector<16xi32>, vector<16xi32> -> vector<16xi32>
      %broadcast_in_dim3A_382 = arith.constant true
      %broadcast_in_dim3A_383 = vector.broadcast %broadcast_in_dim3A_382 : i1 to vector<16xi1>
      %masked_cumsum3A_384 = tpu.scan <sum>, %rev3A_381 masked %broadcast_in_dim3A_383 : vector<16xi32>, vector<16xi1> -> vector<16xi32>
      %sub3A_385 = arith.subi %while3A, %while3A_370 : i32
      %ge3A = vector.broadcast %sub3A_385 : i32 to vector<16xi32>
      %ge3A_386 = arith.cmpi sge, %masked_cumsum3A_384, %ge3A : vector<16xi32>
      %all_reduce_population_count3A = tpu.all_reduce %ge3A_386 {dim = 0 : i64, kind = #tpu.reduction_kind<sum>} : vector<16xi1> -> vector<16xi32>
      %iota3A_387 = tpu.iota {dimensions = array<i32: 0>} : vector<16xi32>
      %eq3A_388 = arith.constant 0 : i32
      %eq3A_389 = vector.broadcast %eq3A_388 : i32 to vector<16xi32>
      %eq3A_390 = arith.cmpi eq, %iota3A_387, %eq3A_389 : vector<16xi32>
      %broadcast_in_dim3A_391 = arith.constant 0 : i32
      %broadcast_in_dim3A_392 = vector.broadcast %broadcast_in_dim3A_391 : i32 to vector<16xi32>
      %select_n3A_393 = arith.select %eq3A_390, %all_reduce_population_count3A, %broadcast_in_dim3A_392 : vector<16xi1>, vector<16xi32>
      %reduce_sum3A_394 = arith.constant true
      %reduce_sum3A_395 = vector.broadcast %reduce_sum3A_394 : i1 to vector<16xi1>
      %reduce_sum3A_396 = tpu.scan <sum>, %select_n3A_393 masked %reduce_sum3A_395 : vector<16xi32>, vector<16xi1> -> vector<16xi32>
      %reduce_sum3A_397 = vector.extract %reduce_sum3A_396[15] : i32 from vector<16xi32>
      %gt3A_398 = arith.constant 0 : i32
      %gt3A_399 = arith.cmpi sgt, %reduce_sum3A_397, %gt3A_398 : i32
      %all_reduce_ffs3A = tpu.all_reduce %ge3A_386 {dim = 0 : i64, kind = #tpu.reduction_kind<find_first_set>} : vector<16xi1> -> vector<16xi32>
      %iota3A_400 = tpu.iota {dimensions = array<i32: 0>} : vector<16xi32>
      %eq3A_401 = arith.constant 0 : i32
      %eq3A_402 = vector.broadcast %eq3A_401 : i32 to vector<16xi32>
      %eq3A_403 = arith.cmpi eq, %iota3A_400, %eq3A_402 : vector<16xi32>
      %broadcast_in_dim3A_404 = arith.constant 0 : i32
      %broadcast_in_dim3A_405 = vector.broadcast %broadcast_in_dim3A_404 : i32 to vector<16xi32>
      %select_n3A_406 = arith.select %eq3A_403, %all_reduce_ffs3A, %broadcast_in_dim3A_405 : vector<16xi1>, vector<16xi32>
      %reduce_sum3A_407 = arith.constant true
      %reduce_sum3A_408 = vector.broadcast %reduce_sum3A_407 : i1 to vector<16xi1>
      %reduce_sum3A_409 = tpu.scan <sum>, %select_n3A_406 masked %reduce_sum3A_408 : vector<16xi32>, vector<16xi1> -> vector<16xi32>
      %reduce_sum3A_410 = vector.extract %reduce_sum3A_409[15] : i32 from vector<16xi32>
      %sub3A_411 = arith.constant 15 : i32
      %sub3A_412 = arith.subi %sub3A_411, %reduce_sum3A_410 : i32
      %iota3A_413 = tpu.iota {dimensions = array<i32: 0>} : vector<16xi32>
      %eq3A_414 = vector.broadcast %reduce_sum3A_410 : i32 to vector<16xi32>
      %eq3A_415 = arith.cmpi eq, %iota3A_413, %eq3A_414 : vector<16xi32>
      %broadcast_in_dim3A_416 = arith.constant 0 : i32
      %broadcast_in_dim3A_417 = vector.broadcast %broadcast_in_dim3A_416 : i32 to vector<16xi32>
      %select_n3A_418 = arith.select %eq3A_415, %masked_cumsum3A_384, %broadcast_in_dim3A_417 : vector<16xi1>, vector<16xi32>
      %reduce_sum3A_419 = arith.constant true
      %reduce_sum3A_420 = vector.broadcast %reduce_sum3A_419 : i1 to vector<16xi1>
      %reduce_sum3A_421 = tpu.scan <sum>, %select_n3A_418 masked %reduce_sum3A_420 : vector<16xi32>, vector<16xi1> -> vector<16xi32>
      %reduce_sum3A_422 = vector.extract %reduce_sum3A_421[15] : i32 from vector<16xi32>
      %iota3A_423 = tpu.iota {dimensions = array<i32: 0>} : vector<16xi32>
      %eq3A_424 = vector.broadcast %sub3A_412 : i32 to vector<16xi32>
      %eq3A_425 = arith.cmpi eq, %iota3A_423, %eq3A_424 : vector<16xi32>
      %broadcast_in_dim3A_426 = arith.constant 0 : i32
      %broadcast_in_dim3A_427 = vector.broadcast %broadcast_in_dim3A_426 : i32 to vector<16xi32>
      %select_n3A_428 = arith.select %eq3A_425, %get3A_377, %broadcast_in_dim3A_427 : vector<16xi1>, vector<16xi32>
      %reduce_sum3A_429 = arith.constant true
      %reduce_sum3A_430 = vector.broadcast %reduce_sum3A_429 : i1 to vector<16xi1>
      %reduce_sum3A_431 = tpu.scan <sum>, %select_n3A_428 masked %reduce_sum3A_430 : vector<16xi32>, vector<16xi1> -> vector<16xi32>
      %reduce_sum3A_432 = vector.extract %reduce_sum3A_431[15] : i32 from vector<16xi32>
      %iota3A_433 = tpu.iota {dimensions = array<i32: 0>} : vector<16xi32>
      %eq3A_434 = arith.constant 15 : i32
      %eq3A_435 = vector.broadcast %eq3A_434 : i32 to vector<16xi32>
      %eq3A_436 = arith.cmpi eq, %iota3A_433, %eq3A_435 : vector<16xi32>
      %broadcast_in_dim3A_437 = arith.constant 0 : i32
      %broadcast_in_dim3A_438 = vector.broadcast %broadcast_in_dim3A_437 : i32 to vector<16xi32>
      %select_n3A_439 = arith.select %eq3A_436, %masked_cumsum3A_384, %broadcast_in_dim3A_438 : vector<16xi1>, vector<16xi32>
      %reduce_sum3A_440 = arith.constant true
      %reduce_sum3A_441 = vector.broadcast %reduce_sum3A_440 : i1 to vector<16xi1>
      %reduce_sum3A_442 = tpu.scan <sum>, %select_n3A_439 masked %reduce_sum3A_441 : vector<16xi32>, vector<16xi1> -> vector<16xi32>
      %reduce_sum3A_443 = vector.extract %reduce_sum3A_442[15] : i32 from vector<16xi32>
      %mul3A_444 = arith.constant 16 : i32
      %mul3A_445 = arith.muli %while3A_369, %mul3A_444 : i32
      %add3A_446 = arith.addi %mul3A_445, %sub3A_412 : i32
      %add3A_447 = arith.addi %while3A_370, %reduce_sum3A_422 : i32
      %sub3A_448 = arith.subi %add3A_447, %reduce_sum3A_432 : i32
      %sub3A_449 = arith.constant 1 : i32
      %sub3A_450 = arith.subi %while3A_369, %sub3A_449 : i32
      %add3A_451 = arith.addi %while3A_370, %reduce_sum3A_443 : i32
      %select_n3A_452 = arith.select %gt3A_399, %while3A_370, %add3A_451 : i32
      %select_n3A_453 = arith.select %gt3A_399, %add3A_446, %while3A_372 : i32
      %select_n3A_454 = arith.select %gt3A_399, %sub3A_448, %while3A_373 : i32
      scf.yield %sub3A_450, %select_n3A_452, %gt3A_399, %select_n3A_453, %select_n3A_454 : i32, i32, i1, i32, i32
    }
    %sub3A_67 = arith.constant 4096 : i32
    %sub3A_68 = arith.subi %while3A_66#3, %sub3A_67 : i32
    %jit3A_69 = arith.constant 16 : i32
    %div3A_70 = arith.divsi %while3A_66#3, %jit3A_69 : i32
    %sign3A_71 = arith.constant 0 : i32
    %sign3A_72 = arith.cmpi sgt, %while3A_66#3, %sign3A_71 : i32
    %sign3A_73 = arith.extui %sign3A_72 : i1 to i32
    %sign3A_74 = arith.constant 0 : i32
    %sign3A_75 = arith.cmpi slt, %while3A_66#3, %sign3A_74 : i32
    %sign3A_76 = arith.extui %sign3A_75 : i1 to i32
    %sign3A_77 = arith.subi %sign3A_73, %sign3A_76 : i32
    %sign3A_78 = arith.constant 0 : i32
    %sign3A_79 = arith.cmpi sgt, %jit3A_69, %sign3A_78 : i32
    %sign3A_80 = arith.extui %sign3A_79 : i1 to i32
    %sign3A_81 = arith.constant 0 : i32
    %sign3A_82 = arith.cmpi slt, %jit3A_69, %sign3A_81 : i32
    %sign3A_83 = arith.extui %sign3A_82 : i1 to i32
    %sign3A_84 = arith.subi %sign3A_80, %sign3A_83 : i32
    %ne3A_85 = arith.cmpi ne, %sign3A_77, %sign3A_84 : i32
    %rem3A_86 = arith.remsi %while3A_66#3, %jit3A_69 : i32
    %ne3A_87 = arith.constant 0 : i32
    %ne3A_88 = arith.cmpi ne, %rem3A_86, %ne3A_87 : i32
    %and3A_89 = arith.andi %ne3A_85, %ne3A_88 : i1
    %sub3A_90 = arith.constant 1 : i32
    %sub3A_91 = arith.subi %div3A_70, %sub3A_90 : i32
    %select_n3A_92 = arith.select %and3A_89, %sub3A_91, %div3A_70 : i32
    %mul3A_93 = arith.constant 16 : i32
    %mul3A_94 = arith.muli %select_n3A_92, %mul3A_93 : i32
    %get3A = arith.index_cast %mul3A_94 : i32 to index
    %get3A_95 = tpu.vector_load %arg6[%get3A] {strides = array<i32>} : memref<8192xi32, #tpu.memory_space<vmem>>, vector<16xi32>,
    %jit3A_96 = arith.constant 16 : i32
    %eq3A_97 = arith.constant 0 : i32
    %eq3A_98 = arith.cmpi eq, %jit3A_96, %eq3A_97 : i32
    %jit3A_99 = arith.constant 1 : i32
    %select_n3A_100 = arith.select %eq3A_98, %jit3A_99, %jit3A_96 : i32
    %rem3A_101 = arith.remsi %while3A_66#3, %select_n3A_100 : i32
    %ne3A_102 = arith.constant 0 : i32
    %ne3A_103 = arith.cmpi ne, %rem3A_101, %ne3A_102 : i32
    %lt3A_104 = arith.constant 0 : i32
    %lt3A_105 = arith.cmpi slt, %rem3A_101, %lt3A_104 : i32
    %lt3A_106 = arith.constant 0 : i32
    %lt3A_107 = arith.cmpi slt, %select_n3A_100, %lt3A_106 : i32
    %ne3A_108 = arith.xori %lt3A_105, %lt3A_107 : i1
    %and3A_109 = arith.andi %ne3A_108, %ne3A_103 : i1
    %add3A_110 = arith.addi %rem3A_101, %select_n3A_100 : i32
    %select_n3A_111 = arith.select %and3A_109, %add3A_110, %rem3A_101 : i32
    %iota3A_112 = tpu.iota {dimensions = array<i32: 0>} : vector<16xi32>
    %eq3A_113 = vector.broadcast %select_n3A_111 : i32 to vector<16xi32>
    %eq3A_114 = arith.cmpi eq, %iota3A_112, %eq3A_113 : vector<16xi32>
    %broadcast_in_dim3A_115 = arith.constant 0 : i32
    %broadcast_in_dim3A_116 = vector.broadcast %broadcast_in_dim3A_115 : i32 to vector<16xi32>
    %select_n3A_117 = arith.select %eq3A_114, %get3A_95, %broadcast_in_dim3A_116 : vector<16xi1>, vector<16xi32>
    %reduce_sum3A_118 = arith.constant true
    %reduce_sum3A_119 = vector.broadcast %reduce_sum3A_118 : i1 to vector<16xi1>
    %reduce_sum3A_120 = tpu.scan <sum>, %select_n3A_117 masked %reduce_sum3A_119 : vector<16xi32>, vector<16xi1> -> vector<16xi32>
    %reduce_sum3A_121 = vector.extract %reduce_sum3A_120[15] : i32 from vector<16xi32>
    %add3A_122 = arith.addi %while3A_66#4, %reduce_sum3A_121 : i32
    %le3A = arith.constant 512 : i32
    %le3A_123 = arith.cmpi sle, %add3A_122, %le3A : i32
    %convert_element_type3A = arith.extui %le3A_123 : i1 to i32
    %cond3A = arith.constant 0 : i32
    %cond3A_124 = arith.constant 0 : i32
    %cond3A_125 = arith.cmpi ne, %convert_element_type3A, %cond3A_124 : i32
    %cond3A_126:3 = scf.if %cond3A_125 -> (i32, i1, i32) {
      %shift_left3A = arith.constant 19 : i32
      %shift_left3A_369 = arith.shli %sub3A_68, %shift_left3A : i32
      %cond3A_370 = arith.constant false
      %cond3A_371 = arith.constant 0 : i32
      scf.yield %shift_left3A_369, %cond3A_370, %cond3A_371 : i32, i1, i32
    } else {
      %parallel_loop3A_369 = arith.constant 0 : i32
      %parallel_loop3A_370 = arith.constant 128 : i32
      %parallel_loop3A_371 = arith.constant 1 : i32
      scf.for %parallel_loop3A_450 = %parallel_loop3A_369 to %parallel_loop3A_370 step %parallel_loop3A_371  : i32 {
        %parallel_loop3A_451 = arith.constant 0 : i32
        %parallel_loop3A_452 = vector.broadcast %parallel_loop3A_451 : i32 to vector<16xi32>
        %parallel_loop3A_453 = arith.constant 16 : i32
        %parallel_loop3A_454 = arith.muli %parallel_loop3A_450, %parallel_loop3A_453 : i32
        %parallel_loop3A_455 = arith.index_cast %parallel_loop3A_454 : i32 to index
        %parallel_loop3A_456 = tpu.vector_load %arg6[%parallel_loop3A_455] {strides = array<i32>} : memref<8192xi32, #tpu.memory_space<vmem>>, vector<16xi32>,
        tpu.vector_store %arg6[%parallel_loop3A_455], %parallel_loop3A_452 {strides = array<i32>} : memref<8192xi32, #tpu.memory_space<vmem>>, vector<16xi32>,
      } {sc.loop_unroll_factor = 8 : i64, sc.parallel_access}
      %scan3A_372 = arith.constant 0 : i32
      %scan3A_373 = arith.constant 0 : i32
      %scan3A_374 = arith.constant 6250 : i32
      %scan3A_375 = arith.addi %scan3A_373, %scan3A_374 : i32
      %scan3A_376 = arith.constant 1 : i32
      %scan3A_377 = scf.for %scan3A_450 = %scan3A_373 to %scan3A_375 step %scan3A_376 iter_args(%scan3A_451 = %scan3A_372) -> (i32)  : i32 {
        %mul3A_452 = arith.constant 16 : i32
        %mul3A_453 = arith.muli %scan3A_450, %mul3A_452 : i32
        %get3A_454 = arith.index_cast %mul3A_453 : i32 to index
        %get3A_455 = tpu.vector_load %arg5[%get3A_454] {strides = array<i32>} : memref<100000xf32, #tpu.memory_space<vmem>>, vector<16xf32>,
        %bitcast3A_456 = vector.bitcast %get3A_455 : vector<16xf32> to vector<16xi32>
        %lt3A_457 = arith.constant 0 : i32
        %lt3A_458 = vector.broadcast %lt3A_457 : i32 to vector<16xi32>
        %lt3A_459 = arith.cmpi slt, %bitcast3A_456, %lt3A_458 : vector<16xi32>
        %xor3A_460 = arith.constant 2147483647 : i32
        %xor3A_461 = vector.broadcast %xor3A_460 : i32 to vector<16xi32>
        %xor3A_462 = arith.xori %bitcast3A_456, %xor3A_461 : vector<16xi32>
        %select_n3A_463 = arith.select %lt3A_459, %xor3A_462, %bitcast3A_456 : vector<16xi1>, vector<16xi32>
        %shift_right_arithmetic3A_464 = arith.constant 19 : i32
        %shift_right_arithmetic3A_465 = vector.broadcast %shift_right_arithmetic3A_464 : i32 to vector<16xi32>
        %shift_right_arithmetic3A_466 = arith.shrsi %select_n3A_463, %shift_right_arithmetic3A_465 : vector<16xi32>
        %eq3A_467 = vector.broadcast %sub3A_68 : i32 to vector<16xi32>
        %eq3A_468 = arith.cmpi eq, %shift_right_arithmetic3A_466, %eq3A_467 : vector<16xi32>
        %shift_right_arithmetic3A_469 = arith.constant 8 : i32
        %shift_right_arithmetic3A_470 = vector.broadcast %shift_right_arithmetic3A_469 : i32 to vector<16xi32>
        %shift_right_arithmetic3A_471 = arith.shrsi %select_n3A_463, %shift_right_arithmetic3A_470 : vector<16xi32>
        %and3A_472 = arith.constant 2047 : i32
        %and3A_473 = vector.broadcast %and3A_472 : i32 to vector<16xi32>
        %and3A_474 = arith.andi %shift_right_arithmetic3A_471, %and3A_473 : vector<16xi32>
        %broadcast_in_dim3A_475 = arith.constant 1 : i32
        %broadcast_in_dim3A_476 = vector.broadcast %broadcast_in_dim3A_475 : i32 to vector<16xi32>
        tpu.vector_store_idx %arg6[%and3A_474], %broadcast_in_dim3A_476 masked %eq3A_468 {add = true} : memref<8192xi32, #tpu.memory_space<vmem>>[vector<16xi32>], vector<16xi32>, vector<16xi1>
        %scan3A_477 = arith.constant 0 : i32
        scf.yield %scan3A_477 : i32
      }
      %scan3A_378 = arith.constant 6250 : i32
      %while3A_379 = arith.constant 64 : i32
      %while3A_380 = arith.constant 127 : i32
      %while3A_381 = arith.constant false
      %while3A_382 = arith.constant 0 : i32
      %while3A_383 = arith.constant 0 : i32
      %while3A_384:5 = scf.while (%while3A_450 = %while3A_380, %while3A_451 = %while3A_66#4, %while3A_452 = %while3A_381, %while3A_453 = %while3A_382, %while3A_454 = %while3A_383) : (i32, i32, i1, i32, i32) -> (i32, i32, i1, i32, i32) {
        %not3A = arith.constant true
        %not3A_455 = arith.xori %while3A_452, %not3A : i1
        %ge3A = arith.constant 0 : i32
        %ge3A_456 = arith.cmpi sge, %while3A_450, %ge3A : i32
        %and3A_457 = arith.andi %not3A_455, %ge3A_456 : i1
        scf.condition(%and3A_457) %while3A_450, %while3A_451, %while3A_452, %while3A_453, %while3A_454 : i32, i32, i1, i32, i32
      } do {
      ^bb0(%while3A_450: i32, %while3A_451: i32, %while3A_452: i1, %while3A_453: i32, %while3A_454: i32):
        %mul3A_455 = arith.constant 16 : i32
        %mul3A_456 = arith.muli %while3A_450, %mul3A_455 : i32
        %get3A_457 = arith.index_cast %mul3A_456 : i32 to index
        %get3A_458 = tpu.vector_load %arg6[%get3A_457] {strides = array<i32>} : memref<8192xi32, #tpu.memory_space<vmem>>, vector<16xi32>,
        %rev3A = arith.constant 15 : i32
        %rev3A_459 = vector.broadcast %rev3A : i32 to vector<16xi32>
        %rev3A_460 = tpu.iota {dimensions = array<i32: 0>} : vector<16xi32>
        %rev3A_461 = arith.subi %rev3A_459, %rev3A_460 : vector<16xi32>
        %rev3A_462 = tpu.dynamic_gather %get3A_458[%rev3A_461] in [0] : vector<16xi32>, vector<16xi32> -> vector<16xi32>
        %broadcast_in_dim3A_463 = arith.constant true
        %broadcast_in_dim3A_464 = vector.broadcast %broadcast_in_dim3A_463 : i1 to vector<16xi1>
        %masked_cumsum3A_465 = tpu.scan <sum>, %rev3A_462 masked %broadcast_in_dim3A_464 : vector<16xi32>, vector<16xi1> -> vector<16xi32>
        %sub3A_466 = arith.subi %while3A_379, %while3A_451 : i32
        %ge3A = vector.broadcast %sub3A_466 : i32 to vector<16xi32>
        %ge3A_467 = arith.cmpi sge, %masked_cumsum3A_465, %ge3A : vector<16xi32>
        %all_reduce_population_count3A = tpu.all_reduce %ge3A_467 {dim = 0 : i64, kind = #tpu.reduction_kind<sum>} : vector<16xi1> -> vector<16xi32>
        %iota3A_468 = tpu.iota {dimensions = array<i32: 0>} : vector<16xi32>
        %eq3A_469 = arith.constant 0 : i32
        %eq3A_470 = vector.broadcast %eq3A_469 : i32 to vector<16xi32>
        %eq3A_471 = arith.cmpi eq, %iota3A_468, %eq3A_470 : vector<16xi32>
        %broadcast_in_dim3A_472 = arith.constant 0 : i32
        %broadcast_in_dim3A_473 = vector.broadcast %broadcast_in_dim3A_472 : i32 to vector<16xi32>
        %select_n3A_474 = arith.select %eq3A_471, %all_reduce_population_count3A, %broadcast_in_dim3A_473 : vector<16xi1>, vector<16xi32>
        %reduce_sum3A_475 = arith.constant true
        %reduce_sum3A_476 = vector.broadcast %reduce_sum3A_475 : i1 to vector<16xi1>
        %reduce_sum3A_477 = tpu.scan <sum>, %select_n3A_474 masked %reduce_sum3A_476 : vector<16xi32>, vector<16xi1> -> vector<16xi32>
        %reduce_sum3A_478 = vector.extract %reduce_sum3A_477[15] : i32 from vector<16xi32>
        %gt3A_479 = arith.constant 0 : i32
        %gt3A_480 = arith.cmpi sgt, %reduce_sum3A_478, %gt3A_479 : i32
        %all_reduce_ffs3A = tpu.all_reduce %ge3A_467 {dim = 0 : i64, kind = #tpu.reduction_kind<find_first_set>} : vector<16xi1> -> vector<16xi32>
        %iota3A_481 = tpu.iota {dimensions = array<i32: 0>} : vector<16xi32>
        %eq3A_482 = arith.constant 0 : i32
        %eq3A_483 = vector.broadcast %eq3A_482 : i32 to vector<16xi32>
        %eq3A_484 = arith.cmpi eq, %iota3A_481, %eq3A_483 : vector<16xi32>
        %broadcast_in_dim3A_485 = arith.constant 0 : i32
        %broadcast_in_dim3A_486 = vector.broadcast %broadcast_in_dim3A_485 : i32 to vector<16xi32>
        %select_n3A_487 = arith.select %eq3A_484, %all_reduce_ffs3A, %broadcast_in_dim3A_486 : vector<16xi1>, vector<16xi32>
        %reduce_sum3A_488 = arith.constant true
        %reduce_sum3A_489 = vector.broadcast %reduce_sum3A_488 : i1 to vector<16xi1>
        %reduce_sum3A_490 = tpu.scan <sum>, %select_n3A_487 masked %reduce_sum3A_489 : vector<16xi32>, vector<16xi1> -> vector<16xi32>
        %reduce_sum3A_491 = vector.extract %reduce_sum3A_490[15] : i32 from vector<16xi32>
        %sub3A_492 = arith.constant 15 : i32
        %sub3A_493 = arith.subi %sub3A_492, %reduce_sum3A_491 : i32
        %iota3A_494 = tpu.iota {dimensions = array<i32: 0>} : vector<16xi32>
        %eq3A_495 = vector.broadcast %reduce_sum3A_491 : i32 to vector<16xi32>
        %eq3A_496 = arith.cmpi eq, %iota3A_494, %eq3A_495 : vector<16xi32>
        %broadcast_in_dim3A_497 = arith.constant 0 : i32
        %broadcast_in_dim3A_498 = vector.broadcast %broadcast_in_dim3A_497 : i32 to vector<16xi32>
        %select_n3A_499 = arith.select %eq3A_496, %masked_cumsum3A_465, %broadcast_in_dim3A_498 : vector<16xi1>, vector<16xi32>
        %reduce_sum3A_500 = arith.constant true
        %reduce_sum3A_501 = vector.broadcast %reduce_sum3A_500 : i1 to vector<16xi1>
        %reduce_sum3A_502 = tpu.scan <sum>, %select_n3A_499 masked %reduce_sum3A_501 : vector<16xi32>, vector<16xi1> -> vector<16xi32>
        %reduce_sum3A_503 = vector.extract %reduce_sum3A_502[15] : i32 from vector<16xi32>
        %iota3A_504 = tpu.iota {dimensions = array<i32: 0>} : vector<16xi32>
        %eq3A_505 = vector.broadcast %sub3A_493 : i32 to vector<16xi32>
        %eq3A_506 = arith.cmpi eq, %iota3A_504, %eq3A_505 : vector<16xi32>
        %broadcast_in_dim3A_507 = arith.constant 0 : i32
        %broadcast_in_dim3A_508 = vector.broadcast %broadcast_in_dim3A_507 : i32 to vector<16xi32>
        %select_n3A_509 = arith.select %eq3A_506, %get3A_458, %broadcast_in_dim3A_508 : vector<16xi1>, vector<16xi32>
        %reduce_sum3A_510 = arith.constant true
        %reduce_sum3A_511 = vector.broadcast %reduce_sum3A_510 : i1 to vector<16xi1>
        %reduce_sum3A_512 = tpu.scan <sum>, %select_n3A_509 masked %reduce_sum3A_511 : vector<16xi32>, vector<16xi1> -> vector<16xi32>
        %reduce_sum3A_513 = vector.extract %reduce_sum3A_512[15] : i32 from vector<16xi32>
        %iota3A_514 = tpu.iota {dimensions = array<i32: 0>} : vector<16xi32>
        %eq3A_515 = arith.constant 15 : i32
        %eq3A_516 = vector.broadcast %eq3A_515 : i32 to vector<16xi32>
        %eq3A_517 = arith.cmpi eq, %iota3A_514, %eq3A_516 : vector<16xi32>
        %broadcast_in_dim3A_518 = arith.constant 0 : i32
        %broadcast_in_dim3A_519 = vector.broadcast %broadcast_in_dim3A_518 : i32 to vector<16xi32>
        %select_n3A_520 = arith.select %eq3A_517, %masked_cumsum3A_465, %broadcast_in_dim3A_519 : vector<16xi1>, vector<16xi32>
        %reduce_sum3A_521 = arith.constant true
        %reduce_sum3A_522 = vector.broadcast %reduce_sum3A_521 : i1 to vector<16xi1>
        %reduce_sum3A_523 = tpu.scan <sum>, %select_n3A_520 masked %reduce_sum3A_522 : vector<16xi32>, vector<16xi1> -> vector<16xi32>
        %reduce_sum3A_524 = vector.extract %reduce_sum3A_523[15] : i32 from vector<16xi32>
        %mul3A_525 = arith.constant 16 : i32
        %mul3A_526 = arith.muli %while3A_450, %mul3A_525 : i32
        %add3A_527 = arith.addi %mul3A_526, %sub3A_493 : i32
        %add3A_528 = arith.addi %while3A_451, %reduce_sum3A_503 : i32
        %sub3A_529 = arith.subi %add3A_528, %reduce_sum3A_513 : i32
        %sub3A_530 = arith.constant 1 : i32
        %sub3A_531 = arith.subi %while3A_450, %sub3A_530 : i32
        %add3A_532 = arith.addi %while3A_451, %reduce_sum3A_524 : i32
        %select_n3A_533 = arith.select %gt3A_480, %while3A_451, %add3A_532 : i32
        %select_n3A_534 = arith.select %gt3A_480, %add3A_527, %while3A_453 : i32
        %select_n3A_535 = arith.select %gt3A_480, %sub3A_529, %while3A_454 : i32
        scf.yield %sub3A_531, %select_n3A_533, %gt3A_480, %select_n3A_534, %select_n3A_535 : i32, i32, i1, i32, i32
      }
      %jit3A_385 = arith.constant 16 : i32
      %div3A_386 = arith.divsi %while3A_384#3, %jit3A_385 : i32
      %sign3A_387 = arith.constant 0 : i32
      %sign3A_388 = arith.cmpi sgt, %while3A_384#3, %sign3A_387 : i32
      %sign3A_389 = arith.extui %sign3A_388 : i1 to i32
      %sign3A_390 = arith.constant 0 : i32
      %sign3A_391 = arith.cmpi slt, %while3A_384#3, %sign3A_390 : i32
      %sign3A_392 = arith.extui %sign3A_391 : i1 to i32
      %sign3A_393 = arith.subi %sign3A_389, %sign3A_392 : i32
      %sign3A_394 = arith.constant 0 : i32
      %sign3A_395 = arith.cmpi sgt, %jit3A_385, %sign3A_394 : i32
      %sign3A_396 = arith.extui %sign3A_395 : i1 to i32
      %sign3A_397 = arith.constant 0 : i32
      %sign3A_398 = arith.cmpi slt, %jit3A_385, %sign3A_397 : i32
      %sign3A_399 = arith.extui %sign3A_398 : i1 to i32
      %sign3A_400 = arith.subi %sign3A_396, %sign3A_399 : i32
      %ne3A_401 = arith.cmpi ne, %sign3A_393, %sign3A_400 : i32
      %rem3A_402 = arith.remsi %while3A_384#3, %jit3A_385 : i32
      %ne3A_403 = arith.constant 0 : i32
      %ne3A_404 = arith.cmpi ne, %rem3A_402, %ne3A_403 : i32
      %and3A_405 = arith.andi %ne3A_401, %ne3A_404 : i1
      %sub3A_406 = arith.constant 1 : i32
      %sub3A_407 = arith.subi %div3A_386, %sub3A_406 : i32
      %select_n3A_408 = arith.select %and3A_405, %sub3A_407, %div3A_386 : i32
      %mul3A_409 = arith.constant 16 : i32
      %mul3A_410 = arith.muli %select_n3A_408, %mul3A_409 : i32
      %get3A_411 = arith.index_cast %mul3A_410 : i32 to index
      %get3A_412 = tpu.vector_load %arg6[%get3A_411] {strides = array<i32>} : memref<8192xi32, #tpu.memory_space<vmem>>, vector<16xi32>,
      %jit3A_413 = arith.constant 16 : i32
      %eq3A_414 = arith.constant 0 : i32
      %eq3A_415 = arith.cmpi eq, %jit3A_413, %eq3A_414 : i32
      %jit3A_416 = arith.constant 1 : i32
      %select_n3A_417 = arith.select %eq3A_415, %jit3A_416, %jit3A_413 : i32
      %rem3A_418 = arith.remsi %while3A_384#3, %select_n3A_417 : i32
      %ne3A_419 = arith.constant 0 : i32
      %ne3A_420 = arith.cmpi ne, %rem3A_418, %ne3A_419 : i32
      %lt3A_421 = arith.constant 0 : i32
      %lt3A_422 = arith.cmpi slt, %rem3A_418, %lt3A_421 : i32
      %lt3A_423 = arith.constant 0 : i32
      %lt3A_424 = arith.cmpi slt, %select_n3A_417, %lt3A_423 : i32
      %ne3A_425 = arith.xori %lt3A_422, %lt3A_424 : i1
      %and3A_426 = arith.andi %ne3A_425, %ne3A_420 : i1
      %add3A_427 = arith.addi %rem3A_418, %select_n3A_417 : i32
      %select_n3A_428 = arith.select %and3A_426, %add3A_427, %rem3A_418 : i32
      %iota3A_429 = tpu.iota {dimensions = array<i32: 0>} : vector<16xi32>
      %eq3A_430 = vector.broadcast %select_n3A_428 : i32 to vector<16xi32>
      %eq3A_431 = arith.cmpi eq, %iota3A_429, %eq3A_430 : vector<16xi32>
      %broadcast_in_dim3A_432 = arith.constant 0 : i32
      %broadcast_in_dim3A_433 = vector.broadcast %broadcast_in_dim3A_432 : i32 to vector<16xi32>
      %select_n3A_434 = arith.select %eq3A_431, %get3A_412, %broadcast_in_dim3A_433 : vector<16xi1>, vector<16xi32>
      %reduce_sum3A_435 = arith.constant true
      %reduce_sum3A_436 = vector.broadcast %reduce_sum3A_435 : i1 to vector<16xi1>
      %reduce_sum3A_437 = tpu.scan <sum>, %select_n3A_434 masked %reduce_sum3A_436 : vector<16xi32>, vector<16xi1> -> vector<16xi32>
      %reduce_sum3A_438 = vector.extract %reduce_sum3A_437[15] : i32 from vector<16xi32>
      %add3A_439 = arith.addi %while3A_384#4, %reduce_sum3A_438 : i32
      %shift_left3A = arith.constant 19 : i32
      %shift_left3A_440 = arith.shli %sub3A_68, %shift_left3A : i32
      %shift_left3A_441 = arith.constant 8 : i32
      %shift_left3A_442 = arith.shli %while3A_384#3, %shift_left3A_441 : i32
      %or3A = arith.ori %shift_left3A_440, %shift_left3A_442 : i32
      %le3A_443 = arith.constant 512 : i32
      %le3A_444 = arith.cmpi sle, %add3A_439, %le3A_443 : i32
      %convert_element_type3A_445 = arith.extui %le3A_444 : i1 to i32
      %cond3A_446 = arith.constant 0 : i32
      %cond3A_447 = arith.constant 0 : i32
      %cond3A_448 = arith.cmpi ne, %convert_element_type3A_445, %cond3A_447 : i32
      %cond3A_449:3 = scf.if %cond3A_448 -> (i32, i1, i32) {
        %cond3A_450 = arith.constant false
        %cond3A_451 = arith.constant 0 : i32
        scf.yield %or3A, %cond3A_450, %cond3A_451 : i32, i1, i32
      } else {
        %parallel_loop3A_450 = arith.constant 0 : i32
        %parallel_loop3A_451 = arith.constant 16 : i32
        %parallel_loop3A_452 = arith.constant 1 : i32
        scf.for %parallel_loop3A_473 = %parallel_loop3A_450 to %parallel_loop3A_451 step %parallel_loop3A_452  : i32 {
          %parallel_loop3A_474 = arith.constant 0 : i32
          %parallel_loop3A_475 = vector.broadcast %parallel_loop3A_474 : i32 to vector<16xi32>
          %parallel_loop3A_476 = arith.constant 16 : i32
          %parallel_loop3A_477 = arith.muli %parallel_loop3A_473, %parallel_loop3A_476 : i32
          %parallel_loop3A_478 = arith.index_cast %parallel_loop3A_477 : i32 to index
          %parallel_loop3A_479 = tpu.vector_load %arg6[%parallel_loop3A_478] {strides = array<i32>} : memref<8192xi32, #tpu.memory_space<vmem>>, vector<16xi32>,
          tpu.vector_store %arg6[%parallel_loop3A_478], %parallel_loop3A_475 {strides = array<i32>} : memref<8192xi32, #tpu.memory_space<vmem>>, vector<16xi32>,
        } {sc.loop_unroll_factor = 8 : i64, sc.parallel_access}
        %shift_left3A_453 = arith.constant 11 : i32
        %shift_left3A_454 = arith.shli %sub3A_68, %shift_left3A_453 : i32
        %or3A_455 = arith.ori %shift_left3A_454, %while3A_384#3 : i32
        %scan3A_456 = arith.constant 0 : i32
        %scan3A_457 = arith.constant 0 : i32
        %scan3A_458 = arith.constant 6250 : i32
        %scan3A_459 = arith.addi %scan3A_457, %scan3A_458 : i32
        %scan3A_460 = arith.constant 1 : i32
        %scan3A_461 = scf.for %scan3A_473 = %scan3A_457 to %scan3A_459 step %scan3A_460 iter_args(%scan3A_474 = %scan3A_456) -> (i32)  : i32 {
          %mul3A_475 = arith.constant 16 : i32
          %mul3A_476 = arith.muli %scan3A_473, %mul3A_475 : i32
          %get3A_477 = arith.index_cast %mul3A_476 : i32 to index
          %get3A_478 = tpu.vector_load %arg5[%get3A_477] {strides = array<i32>} : memref<100000xf32, #tpu.memory_space<vmem>>, vector<16xf32>,
          %bitcast3A_479 = vector.bitcast %get3A_478 : vector<16xf32> to vector<16xi32>
          %lt3A_480 = arith.constant 0 : i32
          %lt3A_481 = vector.broadcast %lt3A_480 : i32 to vector<16xi32>
          %lt3A_482 = arith.cmpi slt, %bitcast3A_479, %lt3A_481 : vector<16xi32>
          %xor3A_483 = arith.constant 2147483647 : i32
          %xor3A_484 = vector.broadcast %xor3A_483 : i32 to vector<16xi32>
          %xor3A_485 = arith.xori %bitcast3A_479, %xor3A_484 : vector<16xi32>
          %select_n3A_486 = arith.select %lt3A_482, %xor3A_485, %bitcast3A_479 : vector<16xi1>, vector<16xi32>
          %shift_right_arithmetic3A_487 = arith.constant 8 : i32
          %shift_right_arithmetic3A_488 = vector.broadcast %shift_right_arithmetic3A_487 : i32 to vector<16xi32>
          %shift_right_arithmetic3A_489 = arith.shrsi %select_n3A_486, %shift_right_arithmetic3A_488 : vector<16xi32>
          %eq3A_490 = vector.broadcast %or3A_455 : i32 to vector<16xi32>
          %eq3A_491 = arith.cmpi eq, %shift_right_arithmetic3A_489, %eq3A_490 : vector<16xi32>
          %and3A_492 = arith.constant 255 : i32
          %and3A_493 = vector.broadcast %and3A_492 : i32 to vector<16xi32>
          %and3A_494 = arith.andi %select_n3A_486, %and3A_493 : vector<16xi32>
          %broadcast_in_dim3A_495 = arith.constant 1 : i32
          %broadcast_in_dim3A_496 = vector.broadcast %broadcast_in_dim3A_495 : i32 to vector<16xi32>
          tpu.vector_store_idx %arg6[%and3A_494], %broadcast_in_dim3A_496 masked %eq3A_491 {add = true} : memref<8192xi32, #tpu.memory_space<vmem>>[vector<16xi32>], vector<16xi32>, vector<16xi1>
          %scan3A_497 = arith.constant 0 : i32
          scf.yield %scan3A_497 : i32
        }
        %scan3A_462 = arith.constant 6250 : i32
        %while3A_463 = arith.constant 64 : i32
        %while3A_464 = arith.constant 15 : i32
        %while3A_465 = arith.constant false
        %while3A_466 = arith.constant 0 : i32
        %while3A_467 = arith.constant 0 : i32
        %while3A_468:5 = scf.while (%while3A_473 = %while3A_464, %while3A_474 = %while3A_384#4, %while3A_475 = %while3A_465, %while3A_476 = %while3A_466, %while3A_477 = %while3A_467) : (i32, i32, i1, i32, i32) -> (i32, i32, i1, i32, i32) {
          %not3A = arith.constant true
          %not3A_478 = arith.xori %while3A_475, %not3A : i1
          %ge3A = arith.constant 0 : i32
          %ge3A_479 = arith.cmpi sge, %while3A_473, %ge3A : i32
          %and3A_480 = arith.andi %not3A_478, %ge3A_479 : i1
          scf.condition(%and3A_480) %while3A_473, %while3A_474, %while3A_475, %while3A_476, %while3A_477 : i32, i32, i1, i32, i32
        } do {
        ^bb0(%while3A_473: i32, %while3A_474: i32, %while3A_475: i1, %while3A_476: i32, %while3A_477: i32):
          %mul3A_478 = arith.constant 16 : i32
          %mul3A_479 = arith.muli %while3A_473, %mul3A_478 : i32
          %get3A_480 = arith.index_cast %mul3A_479 : i32 to index
          %get3A_481 = tpu.vector_load %arg6[%get3A_480] {strides = array<i32>} : memref<8192xi32, #tpu.memory_space<vmem>>, vector<16xi32>,
          %rev3A = arith.constant 15 : i32
          %rev3A_482 = vector.broadcast %rev3A : i32 to vector<16xi32>
          %rev3A_483 = tpu.iota {dimensions = array<i32: 0>} : vector<16xi32>
          %rev3A_484 = arith.subi %rev3A_482, %rev3A_483 : vector<16xi32>
          %rev3A_485 = tpu.dynamic_gather %get3A_481[%rev3A_484] in [0] : vector<16xi32>, vector<16xi32> -> vector<16xi32>
          %broadcast_in_dim3A_486 = arith.constant true
          %broadcast_in_dim3A_487 = vector.broadcast %broadcast_in_dim3A_486 : i1 to vector<16xi1>
          %masked_cumsum3A_488 = tpu.scan <sum>, %rev3A_485 masked %broadcast_in_dim3A_487 : vector<16xi32>, vector<16xi1> -> vector<16xi32>
          %sub3A_489 = arith.subi %while3A_463, %while3A_474 : i32
          %ge3A = vector.broadcast %sub3A_489 : i32 to vector<16xi32>
          %ge3A_490 = arith.cmpi sge, %masked_cumsum3A_488, %ge3A : vector<16xi32>
          %all_reduce_population_count3A = tpu.all_reduce %ge3A_490 {dim = 0 : i64, kind = #tpu.reduction_kind<sum>} : vector<16xi1> -> vector<16xi32>
          %iota3A_491 = tpu.iota {dimensions = array<i32: 0>} : vector<16xi32>
          %eq3A_492 = arith.constant 0 : i32
          %eq3A_493 = vector.broadcast %eq3A_492 : i32 to vector<16xi32>
          %eq3A_494 = arith.cmpi eq, %iota3A_491, %eq3A_493 : vector<16xi32>
          %broadcast_in_dim3A_495 = arith.constant 0 : i32
          %broadcast_in_dim3A_496 = vector.broadcast %broadcast_in_dim3A_495 : i32 to vector<16xi32>
          %select_n3A_497 = arith.select %eq3A_494, %all_reduce_population_count3A, %broadcast_in_dim3A_496 : vector<16xi1>, vector<16xi32>
          %reduce_sum3A_498 = arith.constant true
          %reduce_sum3A_499 = vector.broadcast %reduce_sum3A_498 : i1 to vector<16xi1>
          %reduce_sum3A_500 = tpu.scan <sum>, %select_n3A_497 masked %reduce_sum3A_499 : vector<16xi32>, vector<16xi1> -> vector<16xi32>
          %reduce_sum3A_501 = vector.extract %reduce_sum3A_500[15] : i32 from vector<16xi32>
          %gt3A_502 = arith.constant 0 : i32
          %gt3A_503 = arith.cmpi sgt, %reduce_sum3A_501, %gt3A_502 : i32
          %all_reduce_ffs3A = tpu.all_reduce %ge3A_490 {dim = 0 : i64, kind = #tpu.reduction_kind<find_first_set>} : vector<16xi1> -> vector<16xi32>
          %iota3A_504 = tpu.iota {dimensions = array<i32: 0>} : vector<16xi32>
          %eq3A_505 = arith.constant 0 : i32
          %eq3A_506 = vector.broadcast %eq3A_505 : i32 to vector<16xi32>
          %eq3A_507 = arith.cmpi eq, %iota3A_504, %eq3A_506 : vector<16xi32>
          %broadcast_in_dim3A_508 = arith.constant 0 : i32
          %broadcast_in_dim3A_509 = vector.broadcast %broadcast_in_dim3A_508 : i32 to vector<16xi32>
          %select_n3A_510 = arith.select %eq3A_507, %all_reduce_ffs3A, %broadcast_in_dim3A_509 : vector<16xi1>, vector<16xi32>
          %reduce_sum3A_511 = arith.constant true
          %reduce_sum3A_512 = vector.broadcast %reduce_sum3A_511 : i1 to vector<16xi1>
          %reduce_sum3A_513 = tpu.scan <sum>, %select_n3A_510 masked %reduce_sum3A_512 : vector<16xi32>, vector<16xi1> -> vector<16xi32>
          %reduce_sum3A_514 = vector.extract %reduce_sum3A_513[15] : i32 from vector<16xi32>
          %sub3A_515 = arith.constant 15 : i32
          %sub3A_516 = arith.subi %sub3A_515, %reduce_sum3A_514 : i32
          %iota3A_517 = tpu.iota {dimensions = array<i32: 0>} : vector<16xi32>
          %eq3A_518 = vector.broadcast %reduce_sum3A_514 : i32 to vector<16xi32>
          %eq3A_519 = arith.cmpi eq, %iota3A_517, %eq3A_518 : vector<16xi32>
          %broadcast_in_dim3A_520 = arith.constant 0 : i32
          %broadcast_in_dim3A_521 = vector.broadcast %broadcast_in_dim3A_520 : i32 to vector<16xi32>
          %select_n3A_522 = arith.select %eq3A_519, %masked_cumsum3A_488, %broadcast_in_dim3A_521 : vector<16xi1>, vector<16xi32>
          %reduce_sum3A_523 = arith.constant true
          %reduce_sum3A_524 = vector.broadcast %reduce_sum3A_523 : i1 to vector<16xi1>
          %reduce_sum3A_525 = tpu.scan <sum>, %select_n3A_522 masked %reduce_sum3A_524 : vector<16xi32>, vector<16xi1> -> vector<16xi32>
          %reduce_sum3A_526 = vector.extract %reduce_sum3A_525[15] : i32 from vector<16xi32>
          %iota3A_527 = tpu.iota {dimensions = array<i32: 0>} : vector<16xi32>
          %eq3A_528 = vector.broadcast %sub3A_516 : i32 to vector<16xi32>
          %eq3A_529 = arith.cmpi eq, %iota3A_527, %eq3A_528 : vector<16xi32>
          %broadcast_in_dim3A_530 = arith.constant 0 : i32
          %broadcast_in_dim3A_531 = vector.broadcast %broadcast_in_dim3A_530 : i32 to vector<16xi32>
          %select_n3A_532 = arith.select %eq3A_529, %get3A_481, %broadcast_in_dim3A_531 : vector<16xi1>, vector<16xi32>
          %reduce_sum3A_533 = arith.constant true
          %reduce_sum3A_534 = vector.broadcast %reduce_sum3A_533 : i1 to vector<16xi1>
          %reduce_sum3A_535 = tpu.scan <sum>, %select_n3A_532 masked %reduce_sum3A_534 : vector<16xi32>, vector<16xi1> -> vector<16xi32>
          %reduce_sum3A_536 = vector.extract %reduce_sum3A_535[15] : i32 from vector<16xi32>
          %iota3A_537 = tpu.iota {dimensions = array<i32: 0>} : vector<16xi32>
          %eq3A_538 = arith.constant 15 : i32
          %eq3A_539 = vector.broadcast %eq3A_538 : i32 to vector<16xi32>
          %eq3A_540 = arith.cmpi eq, %iota3A_537, %eq3A_539 : vector<16xi32>
          %broadcast_in_dim3A_541 = arith.constant 0 : i32
          %broadcast_in_dim3A_542 = vector.broadcast %broadcast_in_dim3A_541 : i32 to vector<16xi32>
          %select_n3A_543 = arith.select %eq3A_540, %masked_cumsum3A_488, %broadcast_in_dim3A_542 : vector<16xi1>, vector<16xi32>
          %reduce_sum3A_544 = arith.constant true
          %reduce_sum3A_545 = vector.broadcast %reduce_sum3A_544 : i1 to vector<16xi1>
          %reduce_sum3A_546 = tpu.scan <sum>, %select_n3A_543 masked %reduce_sum3A_545 : vector<16xi32>, vector<16xi1> -> vector<16xi32>
          %reduce_sum3A_547 = vector.extract %reduce_sum3A_546[15] : i32 from vector<16xi32>
          %mul3A_548 = arith.constant 16 : i32
          %mul3A_549 = arith.muli %while3A_473, %mul3A_548 : i32
          %add3A_550 = arith.addi %mul3A_549, %sub3A_516 : i32
          %add3A_551 = arith.addi %while3A_474, %reduce_sum3A_526 : i32
          %sub3A_552 = arith.subi %add3A_551, %reduce_sum3A_536 : i32
          %sub3A_553 = arith.constant 1 : i32
          %sub3A_554 = arith.subi %while3A_473, %sub3A_553 : i32
          %add3A_555 = arith.addi %while3A_474, %reduce_sum3A_547 : i32
          %select_n3A_556 = arith.select %gt3A_503, %while3A_474, %add3A_555 : i32
          %select_n3A_557 = arith.select %gt3A_503, %add3A_550, %while3A_476 : i32
          %select_n3A_558 = arith.select %gt3A_503, %sub3A_552, %while3A_477 : i32
          scf.yield %sub3A_554, %select_n3A_556, %gt3A_503, %select_n3A_557, %select_n3A_558 : i32, i32, i1, i32, i32
        }
        %or3A_469 = arith.ori %or3A, %while3A_468#3 : i32
        %add3A_470 = arith.constant 1 : i32
        %add3A_471 = arith.addi %or3A_469, %add3A_470 : i32
        %cond3A_472 = arith.constant true
        scf.yield %add3A_471, %cond3A_472, %or3A_469 : i32, i1, i32
      }
      scf.yield %cond3A_449#0, %cond3A_449#1, %cond3A_449#2 : i32, i1, i32
    }
    %broadcast_in_dim3A_127 = arith.constant 0.699999988 : f32
    %broadcast_in_dim3A_128 = vector.broadcast %broadcast_in_dim3A_127 : f32 to vector<16xf32>
    %broadcast_in_dim3A_129 = arith.constant 0.000000e+00 : f32
    %broadcast_in_dim3A_130 = vector.broadcast %broadcast_in_dim3A_129 : f32 to vector<16xf32>
    %broadcast_in_dim3A_131 = arith.constant 0 : i32
    %broadcast_in_dim3A_132 = vector.broadcast %broadcast_in_dim3A_131 : i32 to vector<16xi32>
    %parallel_loop3A_133 = arith.constant 0 : i32
    %parallel_loop3A_134 = arith.constant 6250 : i32
    %parallel_loop3A_135 = arith.constant 1 : i32
    %parallel_loop3A_136:2 = scf.for %parallel_loop3A_369 = %parallel_loop3A_133 to %parallel_loop3A_134 step %parallel_loop3A_135 iter_args(%parallel_loop3A_370 = %broadcast_in_dim3A_130, %parallel_loop3A_371 = %broadcast_in_dim3A_132) -> (vector<16xf32>, vector<16xi32>)  : i32 {
      %parallel_loop3A_372 = arith.constant 16 : i32
      %parallel_loop3A_373 = arith.muli %parallel_loop3A_369, %parallel_loop3A_372 : i32
      %parallel_loop3A_374 = arith.index_cast %parallel_loop3A_373 : i32 to index
      %parallel_loop3A_375 = tpu.vector_load %arg5[%parallel_loop3A_374] {strides = array<i32>} : memref<100000xf32, #tpu.memory_space<vmem>>, vector<16xf32>,
      %parallel_loop3A_376 = arith.divf %parallel_loop3A_375, %broadcast_in_dim3A_128 : vector<16xf32>
      %parallel_loop3A_377 = arith.subf %parallel_loop3A_376, %div3A : vector<16xf32>
      %parallel_loop3A_378 = math.exp %parallel_loop3A_377 : vector<16xf32>
      %parallel_loop3A_379 = arith.addf %parallel_loop3A_370, %parallel_loop3A_378 : vector<16xf32>
      %parallel_loop3A_380 = vector.bitcast %parallel_loop3A_375 : vector<16xf32> to vector<16xi32>
      %parallel_loop3A_381 = arith.constant 0 : i32
      %parallel_loop3A_382 = vector.broadcast %parallel_loop3A_381 : i32 to vector<16xi32>
      %parallel_loop3A_383 = arith.cmpi slt, %parallel_loop3A_380, %parallel_loop3A_382 : vector<16xi32>
      %parallel_loop3A_384 = arith.constant 2147483647 : i32
      %parallel_loop3A_385 = vector.broadcast %parallel_loop3A_384 : i32 to vector<16xi32>
      %parallel_loop3A_386 = arith.xori %parallel_loop3A_380, %parallel_loop3A_385 : vector<16xi32>
      %parallel_loop3A_387 = arith.select %parallel_loop3A_383, %parallel_loop3A_386, %parallel_loop3A_380 : vector<16xi1>, vector<16xi32>
      %parallel_loop3A_388 = vector.broadcast %cond3A_126#0 : i32 to vector<16xi32>
      %parallel_loop3A_389 = arith.cmpi sge, %parallel_loop3A_387, %parallel_loop3A_388 : vector<16xi32>
      %parallel_loop3A_390 = arith.constant 1 : i32
      %parallel_loop3A_391 = arith.constant 0 : i32
      %parallel_loop3A_392 = vector.broadcast %parallel_loop3A_390 : i32 to vector<16xi32>
      %parallel_loop3A_393 = vector.broadcast %parallel_loop3A_391 : i32 to vector<16xi32>
      %parallel_loop3A_394 = arith.select %parallel_loop3A_389, %parallel_loop3A_392, %parallel_loop3A_393 : vector<16xi1>, vector<16xi32>
      %parallel_loop3A_395 = arith.constant true
      %parallel_loop3A_396 = vector.broadcast %parallel_loop3A_395 : i1 to vector<16xi1>
      %parallel_loop3A_397 = tpu.scan <sum>, %parallel_loop3A_394 masked %parallel_loop3A_396 : vector<16xi32>, vector<16xi1> -> vector<16xi32>
      %parallel_loop3A_398 = arith.addi %parallel_loop3A_371, %parallel_loop3A_397 : vector<16xi32>
      %parallel_loop3A_399 = arith.constant 1 : i32
      %parallel_loop3A_400 = vector.broadcast %parallel_loop3A_399 : i32 to vector<16xi32>
      %parallel_loop3A_401 = arith.subi %parallel_loop3A_398, %parallel_loop3A_400 : vector<16xi32>
      tpu.vector_store_idx %arg7[%parallel_loop3A_401], %parallel_loop3A_375 masked %parallel_loop3A_389 : memref<512xf32, #tpu.memory_space<vmem>>[vector<16xi32>], vector<16xf32>, vector<16xi1>
      %parallel_loop3A_402 = arith.constant 16 : i32
      %parallel_loop3A_403 = arith.muli %parallel_loop3A_369, %parallel_loop3A_402 : i32
      %parallel_loop3A_404 = tpu.iota {dimensions = array<i32: 0>} : vector<16xi32>
      %parallel_loop3A_405 = vector.broadcast %parallel_loop3A_403 : i32 to vector<16xi32>
      %parallel_loop3A_406 = arith.addi %parallel_loop3A_405, %parallel_loop3A_404 : vector<16xi32>
      tpu.vector_store_idx %arg8[%parallel_loop3A_401], %parallel_loop3A_406 masked %parallel_loop3A_389 : memref<512xi32, #tpu.memory_space<vmem>>[vector<16xi32>], vector<16xi32>, vector<16xi1>
      %parallel_loop3A_407 = tpu.all_reduce %parallel_loop3A_389 {dim = 0 : i64, kind = #tpu.reduction_kind<sum>} : vector<16xi1> -> vector<16xi32>
      %parallel_loop3A_408 = arith.addi %parallel_loop3A_371, %parallel_loop3A_407 : vector<16xi32>
      scf.yield %parallel_loop3A_379, %parallel_loop3A_408 : vector<16xf32>, vector<16xi32>
    } {sc.loop_unroll_factor = 8 : i64, sc.parallel_access}
    %reduce_sum3A_137 = arith.constant true
    %reduce_sum3A_138 = vector.broadcast %reduce_sum3A_137 : i1 to vector<16xi1>
    %reduce_sum3A_139 = tpu.scan <sum>, %parallel_loop3A_136#0 masked %reduce_sum3A_138 : vector<16xf32>, vector<16xi1> -> vector<16xf32>
    %reduce_sum3A_140 = vector.extract %reduce_sum3A_139[15] : f32 from vector<16xf32>
    %iota3A_141 = tpu.iota {dimensions = array<i32: 0>} : vector<16xi32>
    %eq3A_142 = arith.constant 0 : i32
    %eq3A_143 = vector.broadcast %eq3A_142 : i32 to vector<16xi32>
    %eq3A_144 = arith.cmpi eq, %iota3A_141, %eq3A_143 : vector<16xi32>
    %broadcast_in_dim3A_145 = arith.constant 0 : i32
    %broadcast_in_dim3A_146 = vector.broadcast %broadcast_in_dim3A_145 : i32 to vector<16xi32>
    %select_n3A_147 = arith.select %eq3A_144, %parallel_loop3A_136#1, %broadcast_in_dim3A_146 : vector<16xi1>, vector<16xi32>
    %reduce_sum3A_148 = arith.constant true
    %reduce_sum3A_149 = vector.broadcast %reduce_sum3A_148 : i1 to vector<16xi1>
    %reduce_sum3A_150 = tpu.scan <sum>, %select_n3A_147 masked %reduce_sum3A_149 : vector<16xi32>, vector<16xi1> -> vector<16xi32>
    %reduce_sum3A_151 = vector.extract %reduce_sum3A_150[15] : i32 from vector<16xi32>
    %convert_element_type3A_152 = arith.extui %cond3A_126#1 : i1 to i32
    %cond3A_153 = arith.constant 0 : i32
    %cond3A_154 = arith.cmpi ne, %convert_element_type3A_152, %cond3A_153 : i32
    %cond3A_155 = scf.if %cond3A_154 -> (i32) {
      %while3A_369 = arith.constant 0 : i32
      %while3A_370:2 = scf.while (%while3A_371 = %while3A_369, %while3A_372 = %reduce_sum3A_151) : (i32, i32) -> (i32, i32) {
        %lt3A_373 = arith.constant 6250 : i32
        %lt3A_374 = arith.cmpi slt, %while3A_371, %lt3A_373 : i32
        %lt3A_375 = arith.constant 64 : i32
        %lt3A_376 = arith.cmpi slt, %while3A_372, %lt3A_375 : i32
        %and3A_377 = arith.andi %lt3A_374, %lt3A_376 : i1
        scf.condition(%and3A_377) %while3A_371, %while3A_372 : i32, i32
      } do {
      ^bb0(%while3A_371: i32, %while3A_372: i32):
        %mul3A_373 = arith.constant 16 : i32
        %mul3A_374 = arith.muli %while3A_371, %mul3A_373 : i32
        %get3A_375 = arith.index_cast %mul3A_374 : i32 to index
        %get3A_376 = tpu.vector_load %arg5[%get3A_375] {strides = array<i32>} : memref<100000xf32, #tpu.memory_space<vmem>>, vector<16xf32>,
        %bitcast3A_377 = vector.bitcast %get3A_376 : vector<16xf32> to vector<16xi32>
        %lt3A_378 = arith.constant 0 : i32
        %lt3A_379 = vector.broadcast %lt3A_378 : i32 to vector<16xi32>
        %lt3A_380 = arith.cmpi slt, %bitcast3A_377, %lt3A_379 : vector<16xi32>
        %xor3A_381 = arith.constant 2147483647 : i32
        %xor3A_382 = vector.broadcast %xor3A_381 : i32 to vector<16xi32>
        %xor3A_383 = arith.xori %bitcast3A_377, %xor3A_382 : vector<16xi32>
        %select_n3A_384 = arith.select %lt3A_380, %xor3A_383, %bitcast3A_377 : vector<16xi1>, vector<16xi32>
        %eq3A_385 = vector.broadcast %cond3A_126#2 : i32 to vector<16xi32>
        %eq3A_386 = arith.cmpi eq, %select_n3A_384, %eq3A_385 : vector<16xi32>
        %jit3A_387 = arith.constant 1 : i32
        %jit3A_388 = arith.constant 0 : i32
        %broadcast_in_dim3A_389 = vector.broadcast %jit3A_387 : i32 to vector<16xi32>
        %broadcast_in_dim3A_390 = vector.broadcast %jit3A_388 : i32 to vector<16xi32>
        %select_n3A_391 = arith.select %eq3A_386, %broadcast_in_dim3A_389, %broadcast_in_dim3A_390 : vector<16xi1>, vector<16xi32>
        %broadcast_in_dim3A_392 = arith.constant true
        %broadcast_in_dim3A_393 = vector.broadcast %broadcast_in_dim3A_392 : i1 to vector<16xi1>
        %masked_cumsum3A_394 = tpu.scan <sum>, %select_n3A_391 masked %broadcast_in_dim3A_393 : vector<16xi32>, vector<16xi1> -> vector<16xi32>
        %add3A_395 = vector.broadcast %while3A_372 : i32 to vector<16xi32>
        %add3A_396 = arith.addi %add3A_395, %masked_cumsum3A_394 : vector<16xi32>
        %sub3A_397 = arith.constant 1 : i32
        %sub3A_398 = vector.broadcast %sub3A_397 : i32 to vector<16xi32>
        %sub3A_399 = arith.subi %add3A_396, %sub3A_398 : vector<16xi32>
        tpu.vector_store_idx %arg7[%sub3A_399], %get3A_376 masked %eq3A_386 : memref<512xf32, #tpu.memory_space<vmem>>[vector<16xi32>], vector<16xf32>, vector<16xi1>
        %mul3A_400 = arith.constant 16 : i32
        %mul3A_401 = arith.muli %while3A_371, %mul3A_400 : i32
        %iota3A_402 = tpu.iota {dimensions = array<i32: 0>} : vector<16xi32>
        %add3A_403 = vector.broadcast %mul3A_401 : i32 to vector<16xi32>
        %add3A_404 = arith.addi %add3A_403, %iota3A_402 : vector<16xi32>
        tpu.vector_store_idx %arg8[%sub3A_399], %add3A_404 masked %eq3A_386 : memref<512xi32, #tpu.memory_space<vmem>>[vector<16xi32>], vector<16xi32>, vector<16xi1>
        %all_reduce_population_count3A = tpu.all_reduce %eq3A_386 {dim = 0 : i64, kind = #tpu.reduction_kind<sum>} : vector<16xi1> -> vector<16xi32>
        %iota3A_405 = tpu.iota {dimensions = array<i32: 0>} : vector<16xi32>
        %eq3A_406 = arith.constant 0 : i32
        %eq3A_407 = vector.broadcast %eq3A_406 : i32 to vector<16xi32>
        %eq3A_408 = arith.cmpi eq, %iota3A_405, %eq3A_407 : vector<16xi32>
        %broadcast_in_dim3A_409 = arith.constant 0 : i32
        %broadcast_in_dim3A_410 = vector.broadcast %broadcast_in_dim3A_409 : i32 to vector<16xi32>
        %select_n3A_411 = arith.select %eq3A_408, %all_reduce_population_count3A, %broadcast_in_dim3A_410 : vector<16xi1>, vector<16xi32>
        %reduce_sum3A_412 = arith.constant true
        %reduce_sum3A_413 = vector.broadcast %reduce_sum3A_412 : i1 to vector<16xi1>
        %reduce_sum3A_414 = tpu.scan <sum>, %select_n3A_411 masked %reduce_sum3A_413 : vector<16xi32>, vector<16xi1> -> vector<16xi32>
        %reduce_sum3A_415 = vector.extract %reduce_sum3A_414[15] : i32 from vector<16xi32>
        %add3A_416 = arith.addi %while3A_372, %reduce_sum3A_415 : i32
        %add3A_417 = arith.constant 1 : i32
        %add3A_418 = arith.addi %while3A_371, %add3A_417 : i32
        scf.yield %add3A_418, %add3A_416 : i32, i32
      }
      scf.yield %while3A_370#1 : i32
    } else {
      scf.yield %reduce_sum3A_151 : i32
    }
    %add3A_156 = arith.constant 16 : i32
    %add3A_157 = arith.addi %cond3A_155, %add3A_156 : i32
    %sub3A_158 = arith.constant 1 : i32
    %sub3A_159 = arith.subi %add3A_157, %sub3A_158 : i32
    %jit3A_160 = arith.constant 16 : i32
    %div3A_161 = arith.divsi %sub3A_159, %jit3A_160 : i32
    %sign3A_162 = arith.constant 0 : i32
    %sign3A_163 = arith.cmpi sgt, %sub3A_159, %sign3A_162 : i32
    %sign3A_164 = arith.extui %sign3A_163 : i1 to i32
    %sign3A_165 = arith.constant 0 : i32
    %sign3A_166 = arith.cmpi slt, %sub3A_159, %sign3A_165 : i32
    %sign3A_167 = arith.extui %sign3A_166 : i1 to i32
    %sign3A_168 = arith.subi %sign3A_164, %sign3A_167 : i32
    %sign3A_169 = arith.constant 0 : i32
    %sign3A_170 = arith.cmpi sgt, %jit3A_160, %sign3A_169 : i32
    %sign3A_171 = arith.extui %sign3A_170 : i1 to i32
    %sign3A_172 = arith.constant 0 : i32
    %sign3A_173 = arith.cmpi slt, %jit3A_160, %sign3A_172 : i32
    %sign3A_174 = arith.extui %sign3A_173 : i1 to i32
    %sign3A_175 = arith.subi %sign3A_171, %sign3A_174 : i32
    %ne3A_176 = arith.cmpi ne, %sign3A_168, %sign3A_175 : i32
    %rem3A_177 = arith.remsi %sub3A_159, %jit3A_160 : i32
    %ne3A_178 = arith.constant 0 : i32
    %ne3A_179 = arith.cmpi ne, %rem3A_177, %ne3A_178 : i32
    %and3A_180 = arith.andi %ne3A_176, %ne3A_179 : i1
    %sub3A_181 = arith.constant 1 : i32
    %sub3A_182 = arith.subi %div3A_161, %sub3A_181 : i32
    %select_n3A_183 = arith.select %and3A_180, %sub3A_182, %div3A_161 : i32
    %while3A_184 = arith.constant 0 : i32
    %while3A_185 = arith.constant 0 : i32
    %while3A_186 = arith.subi %select_n3A_183, %while3A_184 : i32
    %while3A_187 = arith.addi %while3A_184, %while3A_186 : i32
    %while3A_188 = arith.constant 1 : i32
    %while3A_189 = arith.divsi %while3A_186, %while3A_188 : i32
    %while3A_190 = arith.muli %while3A_189, %while3A_188 : i32
    %while3A_191 = arith.addi %while3A_184, %while3A_190 : i32
    %while3A_192 = arith.constant 1 : i32
    %while3A_193 = scf.for %while3A_369 = %while3A_184 to %while3A_191 step %while3A_192 iter_args(%while3A_370 = %while3A_185) -> (i32)  : i32 {
      %mul3A_371 = arith.constant 16 : i32
      %mul3A_372 = arith.muli %while3A_369, %mul3A_371 : i32
      %get3A_373 = arith.index_cast %mul3A_372 : i32 to index
      %get3A_374 = tpu.vector_load %arg7[%get3A_373] {strides = array<i32>} : memref<512xf32, #tpu.memory_space<vmem>>, vector<16xf32>,
      %mul3A_375 = arith.constant 16 : i32
      %mul3A_376 = arith.muli %while3A_369, %mul3A_375 : i32
      %iota3A_377 = tpu.iota {dimensions = array<i32: 0>} : vector<16xi32>
      %add3A_378 = vector.broadcast %mul3A_376 : i32 to vector<16xi32>
      %add3A_379 = arith.addi %add3A_378, %iota3A_377 : vector<16xi32>
      %ge3A = vector.broadcast %cond3A_155 : i32 to vector<16xi32>
      %ge3A_380 = arith.cmpi sge, %add3A_379, %ge3A : vector<16xi32>
      %broadcast_in_dim3A_381 = arith.constant 0xFF800000 : f32
      %broadcast_in_dim3A_382 = vector.broadcast %broadcast_in_dim3A_381 : f32 to vector<16xf32>
      %select_n3A_383 = arith.select %ge3A_380, %broadcast_in_dim3A_382, %get3A_374 : vector<16xi1>, vector<16xf32>
      %mul3A_384 = arith.constant 16 : i32
      %mul3A_385 = arith.muli %while3A_369, %mul3A_384 : i32
      %swap3A_386 = arith.index_cast %mul3A_385 : i32 to index
      %swap3A_387 = tpu.vector_load %arg7[%swap3A_386] {strides = array<i32>} : memref<512xf32, #tpu.memory_space<vmem>>, vector<16xf32>,
      tpu.vector_store %arg7[%swap3A_386], %select_n3A_383 {strides = array<i32>} : memref<512xf32, #tpu.memory_space<vmem>>, vector<16xf32>,
      %while3A_388 = arith.constant 0 : i32
      scf.yield %while3A_388 : i32
    }
    %while3A_194 = arith.constant 1 : i32
    %while3A_195 = scf.for %while3A_369 = %while3A_191 to %while3A_187 step %while3A_194 iter_args(%while3A_370 = %while3A_193) -> (i32)  : i32 {
      %mul3A_371 = arith.constant 16 : i32
      %mul3A_372 = arith.muli %while3A_369, %mul3A_371 : i32
      %get3A_373 = arith.index_cast %mul3A_372 : i32 to index
      %get3A_374 = tpu.vector_load %arg7[%get3A_373] {strides = array<i32>} : memref<512xf32, #tpu.memory_space<vmem>>, vector<16xf32>,
      %mul3A_375 = arith.constant 16 : i32
      %mul3A_376 = arith.muli %while3A_369, %mul3A_375 : i32
      %iota3A_377 = tpu.iota {dimensions = array<i32: 0>} : vector<16xi32>
      %add3A_378 = vector.broadcast %mul3A_376 : i32 to vector<16xi32>
      %add3A_379 = arith.addi %add3A_378, %iota3A_377 : vector<16xi32>
      %ge3A = vector.broadcast %cond3A_155 : i32 to vector<16xi32>
      %ge3A_380 = arith.cmpi sge, %add3A_379, %ge3A : vector<16xi32>
      %broadcast_in_dim3A_381 = arith.constant 0xFF800000 : f32
      %broadcast_in_dim3A_382 = vector.broadcast %broadcast_in_dim3A_381 : f32 to vector<16xf32>
      %select_n3A_383 = arith.select %ge3A_380, %broadcast_in_dim3A_382, %get3A_374 : vector<16xi1>, vector<16xf32>
      %mul3A_384 = arith.constant 16 : i32
      %mul3A_385 = arith.muli %while3A_369, %mul3A_384 : i32
      %swap3A_386 = arith.index_cast %mul3A_385 : i32 to index
      %swap3A_387 = tpu.vector_load %arg7[%swap3A_386] {strides = array<i32>} : memref<512xf32, #tpu.memory_space<vmem>>, vector<16xf32>,
      tpu.vector_store %arg7[%swap3A_386], %select_n3A_383 {strides = array<i32>} : memref<512xf32, #tpu.memory_space<vmem>>, vector<16xf32>,
      %while3A_388 = arith.constant 0 : i32
      scf.yield %while3A_388 : i32
    }
    %iota3A_196 = tpu.iota {dimensions = array<i32: 0>} : vector<16xi32>
    %eq3A_197 = arith.constant 0 : i32
    %eq3A_198 = vector.broadcast %eq3A_197 : i32 to vector<16xi32>
    %eq3A_199 = arith.cmpi eq, %iota3A_196, %eq3A_198 : vector<16xi32>
    %scan3A = arith.constant 0 : i32
    %scan3A_200 = arith.constant 0 : i32
    %scan3A_201 = arith.constant 64 : i32
    %scan3A_202 = arith.addi %scan3A_200, %scan3A_201 : i32
    %scan3A_203 = arith.constant 1 : i32
    %scan3A_204 = scf.for %scan3A_369 = %scan3A_200 to %scan3A_202 step %scan3A_203 iter_args(%scan3A_370 = %scan3A) -> (i32)  : i32 {
      %broadcast_in_dim3A_371 = arith.constant 0xFF800000 : f32
      %broadcast_in_dim3A_372 = vector.broadcast %broadcast_in_dim3A_371 : f32 to vector<16xf32>
      %broadcast_in_dim3A_373 = arith.constant 0 : i32
      %broadcast_in_dim3A_374 = vector.broadcast %broadcast_in_dim3A_373 : i32 to vector<16xi32>
      %while3A_375 = arith.constant 0 : i32
      %while3A_376 = arith.subi %select_n3A_183, %while3A_375 : i32
      %while3A_377 = arith.addi %while3A_375, %while3A_376 : i32
      %while3A_378 = arith.constant 1 : i32
      %while3A_379 = arith.divsi %while3A_376, %while3A_378 : i32
      %while3A_380 = arith.muli %while3A_379, %while3A_378 : i32
      %while3A_381 = arith.addi %while3A_375, %while3A_380 : i32
      %while3A_382 = arith.constant 1 : i32
      %while3A_383:2 = scf.for %while3A_422 = %while3A_375 to %while3A_381 step %while3A_382 iter_args(%while3A_423 = %broadcast_in_dim3A_372, %while3A_424 = %broadcast_in_dim3A_374) -> (vector<16xf32>, vector<16xi32>)  : i32 {
        %mul3A_425 = arith.constant 16 : i32
        %mul3A_426 = arith.muli %while3A_422, %mul3A_425 : i32
        %get3A_427 = arith.index_cast %mul3A_426 : i32 to index
        %get3A_428 = tpu.vector_load %arg7[%get3A_427] {strides = array<i32>} : memref<512xf32, #tpu.memory_space<vmem>>, vector<16xf32>,
        %gt3A_429 = arith.cmpf ogt, %get3A_428, %while3A_423 : vector<16xf32>
        %select_n3A_430 = arith.select %gt3A_429, %get3A_428, %while3A_423 : vector<16xi1>, vector<16xf32>
        %broadcast_in_dim3A_431 = vector.broadcast %while3A_422 : i32 to vector<16xi32>
        %select_n3A_432 = arith.select %gt3A_429, %broadcast_in_dim3A_431, %while3A_424 : vector<16xi1>, vector<16xi32>
        scf.yield %select_n3A_430, %select_n3A_432 : vector<16xf32>, vector<16xi32>
      }
      %while3A_384 = arith.constant 1 : i32
      %while3A_385:2 = scf.for %while3A_422 = %while3A_381 to %while3A_377 step %while3A_384 iter_args(%while3A_423 = %while3A_383#0, %while3A_424 = %while3A_383#1) -> (vector<16xf32>, vector<16xi32>)  : i32 {
        %mul3A_425 = arith.constant 16 : i32
        %mul3A_426 = arith.muli %while3A_422, %mul3A_425 : i32
        %get3A_427 = arith.index_cast %mul3A_426 : i32 to index
        %get3A_428 = tpu.vector_load %arg7[%get3A_427] {strides = array<i32>} : memref<512xf32, #tpu.memory_space<vmem>>, vector<16xf32>,
        %gt3A_429 = arith.cmpf ogt, %get3A_428, %while3A_423 : vector<16xf32>
        %select_n3A_430 = arith.select %gt3A_429, %get3A_428, %while3A_423 : vector<16xi1>, vector<16xf32>
        %broadcast_in_dim3A_431 = vector.broadcast %while3A_422 : i32 to vector<16xi32>
        %select_n3A_432 = arith.select %gt3A_429, %broadcast_in_dim3A_431, %while3A_424 : vector<16xi1>, vector<16xi32>
        scf.yield %select_n3A_430, %select_n3A_432 : vector<16xf32>, vector<16xi32>
      }
      %reduce_max3A_386 = arith.constant true
      %reduce_max3A_387 = vector.broadcast %reduce_max3A_386 : i1 to vector<16xi1>
      %reduce_max3A_388 = tpu.scan <max>, %while3A_385#0 masked %reduce_max3A_387 : vector<16xf32>, vector<16xi1> -> vector<16xf32>
      %reduce_max3A_389 = vector.extract %reduce_max3A_388[15] : f32 from vector<16xf32>
      %mul3A_390 = arith.constant 16 : i32
      %mul3A_391 = vector.broadcast %mul3A_390 : i32 to vector<16xi32>
      %mul3A_392 = arith.muli %while3A_385#1, %mul3A_391 : vector<16xi32>
      %iota3A_393 = tpu.iota {dimensions = array<i32: 0>} : vector<16xi32>
      %add3A_394 = arith.addi %mul3A_392, %iota3A_393 : vector<16xi32>
      %eq3A_395 = vector.broadcast %reduce_max3A_389 : f32 to vector<16xf32>
      %eq3A_396 = arith.cmpf oeq, %while3A_385#0, %eq3A_395 : vector<16xf32>
      %jit3A_397 = arith.constant 1073741824 : i32
      %broadcast_in_dim3A_398 = vector.broadcast %jit3A_397 : i32 to vector<16xi32>
      %select_n3A_399 = arith.select %eq3A_396, %add3A_394, %broadcast_in_dim3A_398 : vector<16xi1>, vector<16xi32>
      %reduce_min3A = arith.constant true
      %reduce_min3A_400 = vector.broadcast %reduce_min3A : i1 to vector<16xi1>
      %reduce_min3A_401 = arith.constant -2147483648 : i32
      %reduce_min3A_402 = vector.broadcast %reduce_min3A_401 : i32 to vector<16xi32>
      %reduce_min3A_403 = arith.xori %select_n3A_399, %reduce_min3A_402 : vector<16xi32>
      %reduce_min3A_404 = tpu.scan <min>, %reduce_min3A_403 masked %reduce_min3A_400 : vector<16xi32>, vector<16xi1> -> vector<16xi32>
      %reduce_min3A_405 = arith.xori %reduce_min3A_404, %reduce_min3A_402 : vector<16xi32>
      %reduce_min3A_406 = vector.extract %reduce_min3A_405[15] : i32 from vector<16xi32>
      %broadcast_in_dim3A_407 = arith.constant 0 : i32
      %broadcast_in_dim3A_408 = vector.broadcast %broadcast_in_dim3A_407 : i32 to vector<16xi32>
      %add3A_409 = vector.broadcast %reduce_min3A_406 : i32 to vector<16xi32>
      %add3A_410 = arith.addi %broadcast_in_dim3A_408, %add3A_409 : vector<16xi32>
      %gather3A = tpu.vector_load_idx %arg8[%add3A_410] : memref<512xi32, #tpu.memory_space<vmem>>[vector<16xi32>], vector<16xi32>,
      %broadcast_in_dim3A_411 = arith.constant 0xFF800000 : f32
      %broadcast_in_dim3A_412 = vector.broadcast %broadcast_in_dim3A_411 : f32 to vector<16xf32>
      tpu.vector_store_idx %arg7[%add3A_410], %broadcast_in_dim3A_412 masked %eq3A_199 : memref<512xf32, #tpu.memory_space<vmem>>[vector<16xi32>], vector<16xf32>, vector<16xi1>
      %broadcast_in_dim3A_413 = arith.constant 0 : i32
      %broadcast_in_dim3A_414 = vector.broadcast %broadcast_in_dim3A_413 : i32 to vector<16xi32>
      %add3A_415 = vector.broadcast %scan3A_369 : i32 to vector<16xi32>
      %add3A_416 = arith.addi %broadcast_in_dim3A_414, %add3A_415 : vector<16xi32>
      %broadcast_in_dim3A_417 = arith.constant 0.000000e+00 : f32
      %broadcast_in_dim3A_418 = vector.broadcast %broadcast_in_dim3A_417 : f32 to vector<16xf32>
      %add3A_419 = vector.broadcast %reduce_max3A_389 : f32 to vector<16xf32>
      %add3A_420 = arith.addf %broadcast_in_dim3A_418, %add3A_419 : vector<16xf32>
      tpu.vector_store_idx %arg9[%add3A_416], %add3A_420 masked %eq3A_199 : memref<64xf32, #tpu.memory_space<vmem>>[vector<16xi32>], vector<16xf32>, vector<16xi1>
      tpu.vector_store_idx %arg11[%add3A_416], %gather3A masked %eq3A_199 : memref<64xi32, #tpu.memory_space<vmem>>[vector<16xi32>], vector<16xi32>, vector<16xi1>
      %scan3A_421 = arith.constant 0 : i32
      scf.yield %scan3A_421 : i32
    }
    %scan3A_205 = arith.constant 64 : i32
    %broadcast_in_dim3A_206 = arith.constant 0.000000e+00 : f32
    %broadcast_in_dim3A_207 = vector.broadcast %broadcast_in_dim3A_206 : f32 to vector<16xf32>
    %broadcast_in_dim3A_208 = arith.constant 0.000000e+00 : f32
    %broadcast_in_dim3A_209 = vector.broadcast %broadcast_in_dim3A_208 : f32 to vector<16xf32>
    %add3A_210 = vector.broadcast %reduce_sum3A_140 : f32 to vector<16xf32>
    %add3A_211 = arith.addf %broadcast_in_dim3A_209, %add3A_210 : vector<16xf32>
    %get3A_212 = arith.constant 0 : index
    %get3A_213 = tpu.vector_load %arg9[%get3A_212] {strides = array<i32>} : memref<64xf32, #tpu.memory_space<vmem>>, vector<16xf32>,
    %div3A_214 = arith.divf %get3A_213, %broadcast_in_dim3A_128 : vector<16xf32>
    %sub3A_215 = arith.subf %div3A_214, %div3A : vector<16xf32>
    %exp3A = math.exp %sub3A_215 : vector<16xf32>
    %div3A_216 = arith.divf %exp3A, %add3A_211 : vector<16xf32>
    %broadcast_in_dim3A_217 = arith.constant true
    %broadcast_in_dim3A_218 = vector.broadcast %broadcast_in_dim3A_217 : i1 to vector<16xi1>
    %masked_cumsum3A = tpu.scan <sum>, %div3A_216 masked %broadcast_in_dim3A_218 : vector<16xf32>, vector<16xi1> -> vector<16xf32>
    %add3A_219 = arith.constant 0.000000e+00 : f32
    %add3A_220 = vector.broadcast %add3A_219 : f32 to vector<16xf32>
    %add3A_221 = arith.addf %masked_cumsum3A, %add3A_220 : vector<16xf32>
    %iota3A_222 = tpu.iota {dimensions = array<i32: 0>} : vector<16xi32>
    %eq3A_223 = arith.constant 15 : i32
    %eq3A_224 = vector.broadcast %eq3A_223 : i32 to vector<16xi32>
    %eq3A_225 = arith.cmpi eq, %iota3A_222, %eq3A_224 : vector<16xi32>
    %broadcast_in_dim3A_226 = arith.constant 0.000000e+00 : f32
    %broadcast_in_dim3A_227 = vector.broadcast %broadcast_in_dim3A_226 : f32 to vector<16xf32>
    %select_n3A_228 = arith.select %eq3A_225, %add3A_221, %broadcast_in_dim3A_227 : vector<16xi1>, vector<16xf32>
    %reduce_sum3A_229 = arith.constant true
    %reduce_sum3A_230 = vector.broadcast %reduce_sum3A_229 : i1 to vector<16xi1>
    %reduce_sum3A_231 = tpu.scan <sum>, %select_n3A_228 masked %reduce_sum3A_230 : vector<16xf32>, vector<16xi1> -> vector<16xf32>
    %reduce_sum3A_232 = vector.extract %reduce_sum3A_231[15] : f32 from vector<16xf32>
    %sub3A_233 = arith.subf %add3A_221, %div3A_216 : vector<16xf32>
    %gt3A = arith.constant 0.949999988 : f32
    %gt3A_234 = vector.broadcast %gt3A : f32 to vector<16xf32>
    %gt3A_235 = arith.cmpf ogt, %sub3A_233, %gt3A_234 : vector<16xf32>
    %jit3A_236 = arith.constant 0.000000e+00 : f32
    %broadcast_in_dim3A_237 = vector.broadcast %jit3A_236 : f32 to vector<16xf32>
    %select_n3A_238 = arith.select %gt3A_235, %broadcast_in_dim3A_237, %div3A_216 : vector<16xi1>, vector<16xf32>
    %add3A_239 = arith.addf %broadcast_in_dim3A_207, %select_n3A_238 : vector<16xf32>
    %swap3A = arith.constant 0 : index
    %swap3A_240 = tpu.vector_load %arg10[%swap3A] {strides = array<i32>} : memref<64xf32, #tpu.memory_space<vmem>>, vector<16xf32>,
    tpu.vector_store %arg10[%swap3A], %select_n3A_238 {strides = array<i32>} : memref<64xf32, #tpu.memory_space<vmem>>, vector<16xf32>,
    %get3A_241 = arith.constant 16 : index
    %get3A_242 = tpu.vector_load %arg9[%get3A_241] {strides = array<i32>} : memref<64xf32, #tpu.memory_space<vmem>>, vector<16xf32>,
    %div3A_243 = arith.divf %get3A_242, %broadcast_in_dim3A_128 : vector<16xf32>
    %sub3A_244 = arith.subf %div3A_243, %div3A : vector<16xf32>
    %exp3A_245 = math.exp %sub3A_244 : vector<16xf32>
    %div3A_246 = arith.divf %exp3A_245, %add3A_211 : vector<16xf32>
    %broadcast_in_dim3A_247 = arith.constant true
    %broadcast_in_dim3A_248 = vector.broadcast %broadcast_in_dim3A_247 : i1 to vector<16xi1>
    %masked_cumsum3A_249 = tpu.scan <sum>, %div3A_246 masked %broadcast_in_dim3A_248 : vector<16xf32>, vector<16xi1> -> vector<16xf32>
    %add3A_250 = vector.broadcast %reduce_sum3A_232 : f32 to vector<16xf32>
    %add3A_251 = arith.addf %masked_cumsum3A_249, %add3A_250 : vector<16xf32>
    %iota3A_252 = tpu.iota {dimensions = array<i32: 0>} : vector<16xi32>
    %eq3A_253 = arith.constant 15 : i32
    %eq3A_254 = vector.broadcast %eq3A_253 : i32 to vector<16xi32>
    %eq3A_255 = arith.cmpi eq, %iota3A_252, %eq3A_254 : vector<16xi32>
    %broadcast_in_dim3A_256 = arith.constant 0.000000e+00 : f32
    %broadcast_in_dim3A_257 = vector.broadcast %broadcast_in_dim3A_256 : f32 to vector<16xf32>
    %select_n3A_258 = arith.select %eq3A_255, %add3A_251, %broadcast_in_dim3A_257 : vector<16xi1>, vector<16xf32>
    %reduce_sum3A_259 = arith.constant true
    %reduce_sum3A_260 = vector.broadcast %reduce_sum3A_259 : i1 to vector<16xi1>
    %reduce_sum3A_261 = tpu.scan <sum>, %select_n3A_258 masked %reduce_sum3A_260 : vector<16xf32>, vector<16xi1> -> vector<16xf32>
    %reduce_sum3A_262 = vector.extract %reduce_sum3A_261[15] : f32 from vector<16xf32>
    %sub3A_263 = arith.subf %add3A_251, %div3A_246 : vector<16xf32>
    %gt3A_264 = arith.constant 0.949999988 : f32
    %gt3A_265 = vector.broadcast %gt3A_264 : f32 to vector<16xf32>
    %gt3A_266 = arith.cmpf ogt, %sub3A_263, %gt3A_265 : vector<16xf32>
    %jit3A_267 = arith.constant 0.000000e+00 : f32
    %broadcast_in_dim3A_268 = vector.broadcast %jit3A_267 : f32 to vector<16xf32>
    %select_n3A_269 = arith.select %gt3A_266, %broadcast_in_dim3A_268, %div3A_246 : vector<16xi1>, vector<16xf32>
    %add3A_270 = arith.addf %add3A_239, %select_n3A_269 : vector<16xf32>
    %swap3A_271 = arith.constant 16 : index
    %swap3A_272 = tpu.vector_load %arg10[%swap3A_271] {strides = array<i32>} : memref<64xf32, #tpu.memory_space<vmem>>, vector<16xf32>,
    tpu.vector_store %arg10[%swap3A_271], %select_n3A_269 {strides = array<i32>} : memref<64xf32, #tpu.memory_space<vmem>>, vector<16xf32>,
    %get3A_273 = arith.constant 32 : index
    %get3A_274 = tpu.vector_load %arg9[%get3A_273] {strides = array<i32>} : memref<64xf32, #tpu.memory_space<vmem>>, vector<16xf32>,
    %div3A_275 = arith.divf %get3A_274, %broadcast_in_dim3A_128 : vector<16xf32>
    %sub3A_276 = arith.subf %div3A_275, %div3A : vector<16xf32>
    %exp3A_277 = math.exp %sub3A_276 : vector<16xf32>
    %div3A_278 = arith.divf %exp3A_277, %add3A_211 : vector<16xf32>
    %broadcast_in_dim3A_279 = arith.constant true
    %broadcast_in_dim3A_280 = vector.broadcast %broadcast_in_dim3A_279 : i1 to vector<16xi1>
    %masked_cumsum3A_281 = tpu.scan <sum>, %div3A_278 masked %broadcast_in_dim3A_280 : vector<16xf32>, vector<16xi1> -> vector<16xf32>
    %add3A_282 = vector.broadcast %reduce_sum3A_262 : f32 to vector<16xf32>
    %add3A_283 = arith.addf %masked_cumsum3A_281, %add3A_282 : vector<16xf32>
    %iota3A_284 = tpu.iota {dimensions = array<i32: 0>} : vector<16xi32>
    %eq3A_285 = arith.constant 15 : i32
    %eq3A_286 = vector.broadcast %eq3A_285 : i32 to vector<16xi32>
    %eq3A_287 = arith.cmpi eq, %iota3A_284, %eq3A_286 : vector<16xi32>
    %broadcast_in_dim3A_288 = arith.constant 0.000000e+00 : f32
    %broadcast_in_dim3A_289 = vector.broadcast %broadcast_in_dim3A_288 : f32 to vector<16xf32>
    %select_n3A_290 = arith.select %eq3A_287, %add3A_283, %broadcast_in_dim3A_289 : vector<16xi1>, vector<16xf32>
    %reduce_sum3A_291 = arith.constant true
    %reduce_sum3A_292 = vector.broadcast %reduce_sum3A_291 : i1 to vector<16xi1>
    %reduce_sum3A_293 = tpu.scan <sum>, %select_n3A_290 masked %reduce_sum3A_292 : vector<16xf32>, vector<16xi1> -> vector<16xf32>
    %reduce_sum3A_294 = vector.extract %reduce_sum3A_293[15] : f32 from vector<16xf32>
    %sub3A_295 = arith.subf %add3A_283, %div3A_278 : vector<16xf32>
    %gt3A_296 = arith.constant 0.949999988 : f32
    %gt3A_297 = vector.broadcast %gt3A_296 : f32 to vector<16xf32>
    %gt3A_298 = arith.cmpf ogt, %sub3A_295, %gt3A_297 : vector<16xf32>
    %jit3A_299 = arith.constant 0.000000e+00 : f32
    %broadcast_in_dim3A_300 = vector.broadcast %jit3A_299 : f32 to vector<16xf32>
    %select_n3A_301 = arith.select %gt3A_298, %broadcast_in_dim3A_300, %div3A_278 : vector<16xi1>, vector<16xf32>
    %add3A_302 = arith.addf %add3A_270, %select_n3A_301 : vector<16xf32>
    %swap3A_303 = arith.constant 32 : index
    %swap3A_304 = tpu.vector_load %arg10[%swap3A_303] {strides = array<i32>} : memref<64xf32, #tpu.memory_space<vmem>>, vector<16xf32>,
    tpu.vector_store %arg10[%swap3A_303], %select_n3A_301 {strides = array<i32>} : memref<64xf32, #tpu.memory_space<vmem>>, vector<16xf32>,
    %get3A_305 = arith.constant 48 : index
    %get3A_306 = tpu.vector_load %arg9[%get3A_305] {strides = array<i32>} : memref<64xf32, #tpu.memory_space<vmem>>, vector<16xf32>,
    %div3A_307 = arith.divf %get3A_306, %broadcast_in_dim3A_128 : vector<16xf32>
    %sub3A_308 = arith.subf %div3A_307, %div3A : vector<16xf32>
    %exp3A_309 = math.exp %sub3A_308 : vector<16xf32>
    %div3A_310 = arith.divf %exp3A_309, %add3A_211 : vector<16xf32>
    %broadcast_in_dim3A_311 = arith.constant true
    %broadcast_in_dim3A_312 = vector.broadcast %broadcast_in_dim3A_311 : i1 to vector<16xi1>
    %masked_cumsum3A_313 = tpu.scan <sum>, %div3A_310 masked %broadcast_in_dim3A_312 : vector<16xf32>, vector<16xi1> -> vector<16xf32>
    %add3A_314 = vector.broadcast %reduce_sum3A_294 : f32 to vector<16xf32>
    %add3A_315 = arith.addf %masked_cumsum3A_313, %add3A_314 : vector<16xf32>
    %iota3A_316 = tpu.iota {dimensions = array<i32: 0>} : vector<16xi32>
    %eq3A_317 = arith.constant 15 : i32
    %eq3A_318 = vector.broadcast %eq3A_317 : i32 to vector<16xi32>
    %eq3A_319 = arith.cmpi eq, %iota3A_316, %eq3A_318 : vector<16xi32>
    %broadcast_in_dim3A_320 = arith.constant 0.000000e+00 : f32
    %broadcast_in_dim3A_321 = vector.broadcast %broadcast_in_dim3A_320 : f32 to vector<16xf32>
    %select_n3A_322 = arith.select %eq3A_319, %add3A_315, %broadcast_in_dim3A_321 : vector<16xi1>, vector<16xf32>
    %reduce_sum3A_323 = arith.constant true
    %reduce_sum3A_324 = vector.broadcast %reduce_sum3A_323 : i1 to vector<16xi1>
    %reduce_sum3A_325 = tpu.scan <sum>, %select_n3A_322 masked %reduce_sum3A_324 : vector<16xf32>, vector<16xi1> -> vector<16xf32>
    %reduce_sum3A_326 = vector.extract %reduce_sum3A_325[15] : f32 from vector<16xf32>
    %sub3A_327 = arith.subf %add3A_315, %div3A_310 : vector<16xf32>
    %gt3A_328 = arith.constant 0.949999988 : f32
    %gt3A_329 = vector.broadcast %gt3A_328 : f32 to vector<16xf32>
    %gt3A_330 = arith.cmpf ogt, %sub3A_327, %gt3A_329 : vector<16xf32>
    %jit3A_331 = arith.constant 0.000000e+00 : f32
    %broadcast_in_dim3A_332 = vector.broadcast %jit3A_331 : f32 to vector<16xf32>
    %select_n3A_333 = arith.select %gt3A_330, %broadcast_in_dim3A_332, %div3A_310 : vector<16xi1>, vector<16xf32>
    %add3A_334 = arith.addf %add3A_302, %select_n3A_333 : vector<16xf32>
    %swap3A_335 = arith.constant 48 : index
    %swap3A_336 = tpu.vector_load %arg10[%swap3A_335] {strides = array<i32>} : memref<64xf32, #tpu.memory_space<vmem>>, vector<16xf32>,
    tpu.vector_store %arg10[%swap3A_335], %select_n3A_333 {strides = array<i32>} : memref<64xf32, #tpu.memory_space<vmem>>, vector<16xf32>,
    %broadcast_in_dim3A_337 = arith.constant 0.000000e+00 : f32
    %broadcast_in_dim3A_338 = vector.broadcast %broadcast_in_dim3A_337 : f32 to vector<16xf32>
    %reduce_sum3A_339 = arith.constant true
    %reduce_sum3A_340 = vector.broadcast %reduce_sum3A_339 : i1 to vector<16xi1>
    %reduce_sum3A_341 = tpu.scan <sum>, %add3A_334 masked %reduce_sum3A_340 : vector<16xf32>, vector<16xi1> -> vector<16xf32>
    %reduce_sum3A_342 = vector.extract %reduce_sum3A_341[15] : f32 from vector<16xf32>
    %add3A_343 = vector.broadcast %reduce_sum3A_342 : f32 to vector<16xf32>
    %add3A_344 = arith.addf %broadcast_in_dim3A_338, %add3A_343 : vector<16xf32>
    %get3A_345 = arith.constant 0 : index
    %get3A_346 = tpu.vector_load %arg10[%get3A_345] {strides = array<i32>} : memref<64xf32, #tpu.memory_space<vmem>>, vector<16xf32>,
    %div3A_347 = arith.divf %get3A_346, %add3A_344 : vector<16xf32>
    %swap3A_348 = arith.constant 0 : index
    %swap3A_349 = tpu.vector_load %arg10[%swap3A_348] {strides = array<i32>} : memref<64xf32, #tpu.memory_space<vmem>>, vector<16xf32>,
    tpu.vector_store %arg10[%swap3A_348], %div3A_347 {strides = array<i32>} : memref<64xf32, #tpu.memory_space<vmem>>, vector<16xf32>,
    %get3A_350 = arith.constant 16 : index
    %get3A_351 = tpu.vector_load %arg10[%get3A_350] {strides = array<i32>} : memref<64xf32, #tpu.memory_space<vmem>>, vector<16xf32>,
    %div3A_352 = arith.divf %get3A_351, %add3A_344 : vector<16xf32>
    %swap3A_353 = arith.constant 16 : index
    %swap3A_354 = tpu.vector_load %arg10[%swap3A_353] {strides = array<i32>} : memref<64xf32, #tpu.memory_space<vmem>>, vector<16xf32>,
    tpu.vector_store %arg10[%swap3A_353], %div3A_352 {strides = array<i32>} : memref<64xf32, #tpu.memory_space<vmem>>, vector<16xf32>,
    %get3A_355 = arith.constant 32 : index
    %get3A_356 = tpu.vector_load %arg10[%get3A_355] {strides = array<i32>} : memref<64xf32, #tpu.memory_space<vmem>>, vector<16xf32>,
    %div3A_357 = arith.divf %get3A_356, %add3A_344 : vector<16xf32>
    %swap3A_358 = arith.constant 32 : index
    %swap3A_359 = tpu.vector_load %arg10[%swap3A_358] {strides = array<i32>} : memref<64xf32, #tpu.memory_space<vmem>>, vector<16xf32>,
    tpu.vector_store %arg10[%swap3A_358], %div3A_357 {strides = array<i32>} : memref<64xf32, #tpu.memory_space<vmem>>, vector<16xf32>,
    %get3A_360 = arith.constant 48 : index
    %get3A_361 = tpu.vector_load %arg10[%get3A_360] {strides = array<i32>} : memref<64xf32, #tpu.memory_space<vmem>>, vector<16xf32>,
    %div3A_362 = arith.divf %get3A_361, %add3A_344 : vector<16xf32>
    %swap3A_363 = arith.constant 48 : index
    %swap3A_364 = tpu.vector_load %arg10[%swap3A_363] {strides = array<i32>} : memref<64xf32, #tpu.memory_space<vmem>>, vector<16xf32>,
    tpu.vector_store %arg10[%swap3A_363], %div3A_362 {strides = array<i32>} : memref<64xf32, #tpu.memory_space<vmem>>, vector<16xf32>,
    %mul3A_365 = arith.constant 64 : i32
    %mul3A_366 = arith.muli %add3A, %mul3A_365 : i32
    "tpu.region"() ({
      %run_scoped3A = tpu.sem_alloc : memref<!tpu.dma_semaphore, #tpu.memory_space<semaphore_mem>>
      %dma_start3A_369 = tpu.memref_slice %arg3[%mul3A_366] : memref<2048xf32, #tpu.memory_space<hbm>> -> memref<64xf32, #tpu.memory_space<hbm>>
      %dma_start3A_370 = tpu.memref_slice %arg3[%mul3A_366] : memref<2048xf32, #tpu.memory_space<hbm>> -> memref<64xf32, #tpu.memory_space<hbm>>
      tpu.enqueue_dma source(%arg10 : memref<64xf32, #tpu.memory_space<vmem>>) target(%dma_start3A_370 : memref<64xf32, #tpu.memory_space<hbm>>) target_semaphore(%run_scoped3A : memref<!tpu.dma_semaphore, #tpu.memory_space<semaphore_mem>>)
      %dma_wait3A_371 = tpu.memref_slice %arg3[%mul3A_366] : memref<2048xf32, #tpu.memory_space<hbm>> -> memref<64xf32, #tpu.memory_space<hbm>>
      %dma_wait3A_372 = tpu.memref_slice %arg3[%mul3A_366] : memref<2048xf32, #tpu.memory_space<hbm>> -> memref<64xf32, #tpu.memory_space<hbm>>
      tpu.wait_dma2 semaphore(%run_scoped3A : memref<!tpu.dma_semaphore, #tpu.memory_space<semaphore_mem>>) src(%arg10 : memref<64xf32, #tpu.memory_space<vmem>>) dst(%dma_wait3A_372 : memref<64xf32, #tpu.memory_space<hbm>>)
      tpu.yield
    }) : () -> ()
    %mul3A_367 = arith.constant 64 : i32
    %mul3A_368 = arith.muli %add3A, %mul3A_367 : i32
    "tpu.region"() ({
      %run_scoped3A = tpu.sem_alloc : memref<!tpu.dma_semaphore, #tpu.memory_space<semaphore_mem>>
      %dma_start3A_369 = tpu.memref_slice %arg4[%mul3A_368] : memref<2048xi32, #tpu.memory_space<hbm>> -> memref<64xi32, #tpu.memory_space<hbm>>
      %dma_start3A_370 = tpu.memref_slice %arg4[%mul3A_368] : memref<2048xi32, #tpu.memory_space<hbm>> -> memref<64xi32, #tpu.memory_space<hbm>>
      tpu.enqueue_dma source(%arg11 : memref<64xi32, #tpu.memory_space<vmem>>) target(%dma_start3A_370 : memref<64xi32, #tpu.memory_space<hbm>>) target_semaphore(%run_scoped3A : memref<!tpu.dma_semaphore, #tpu.memory_space<semaphore_mem>>)
      %dma_wait3A_371 = tpu.memref_slice %arg4[%mul3A_368] : memref<2048xi32, #tpu.memory_space<hbm>> -> memref<64xi32, #tpu.memory_space<hbm>>
      %dma_wait3A_372 = tpu.memref_slice %arg4[%mul3A_368] : memref<2048xi32, #tpu.memory_space<hbm>> -> memref<64xi32, #tpu.memory_space<hbm>>
      tpu.wait_dma2 semaphore(%run_scoped3A : memref<!tpu.dma_semaphore, #tpu.memory_space<semaphore_mem>>) src(%arg11 : memref<64xi32, #tpu.memory_space<vmem>>) dst(%dma_wait3A_372 : memref<64xi32, #tpu.memory_space<hbm>>)
      tpu.yield
    }) : () -> ()
    return
  }
}

</mosaic_0001>

<sc_bundles>
// kernel: sc_topk_sampler.3.cloned.1.call-start
scs
__scs_entry_jumppad:
0x0: {  	(pc) =	sbr.rel $0x88, $3  }
0x1: {  	(tag) =	ssettag $0x0;
	lr =	simm.s32 $0x1  }
0x2: {  	[smem:$0x3FA0] =	sst lr;
	_ =	strace $0xD0000000  }
0x3: {  	_ = 	snop  }
0x4: {  	_ = 	snop  }
0x5: {  	_ = 	snop  }
0x6: {  	_ = 	snop  }
0x7: {  	_ = 	snop  }
__scs_overlays_trampoline_lowered:
0x8: {  	[smem:$0x3FAF] =	sst s0  }
0x9: {  	[smem:$0x3FB0] =	sst s1  }
0xa: {  	[smem:$0x3FB1] =	sst s2  }
0xb: {  	[smem:$0x3FB2] =	sst s3  }
0xc: {  	[smem:$0x3FB3] =	sst s4  }
0xd: {  	[smem:$0x3FB4] =	sst s5  }
0xe: {  	[smem:$0x3FB5] =	sst s6  }
0xf: {  	[smem:$0x3FB6] =	sst s7  }
0x10: {  	[smem:$0x3FB7] =	sst s8  }
0x11: {  	[smem:$0x3FB8] =	sst s9;
	s0 =	simm.s32 @!p0 $0x0  }
0x12: {  	s1 =	sld [smem:$0x3F9E];
	s0 =	simm.s32 @p0 $0x1  }
0x13: {  	[smem:$0x3FB9] =	sst s0;
	s0 =	simm.s32 @!p1 $0x0  }
0x14: {  	s2 =	sld [smem:$0x3F9D];
	s0 =	simm.s32 @p1 $0x1  }
0x15: {  	[smem:$0x3FBA] =	sst s0;
	s0 =	simm.s32 @!p2 $0x0  }
0x16: {  	s3 =	sld [smem:$0x3FDB];
	s0 =	simm.s32 @p2 $0x1  }
0x17: {  	s4 =	simm.s32 $0x1BF5;
	[smem:$0x3FBC] =	sst s0  }
0x18: {  	s0 =	sld [smem:$0x3F9F];
	_ =	swait.ge [sflag:s4], $0x0  }
0x19: {  	s7 =	sld [smem:$0x3FA0]  }
0x1a: {  	s8 =	sadd.s32 $0xFFFFE003, lr  }
0x1b: {  	s9 =	sadd.s32 $0xFFFFFEF7, lr;
	s5 =	simm.s32 $0xFFFFFFFF;
	p2 =	slt.u32 s8, $0xFFFFF086  }
0x1c: {  	p1 =	slt.u32 s9, $0xF7A;
	s5 =	simm.s32 @!p2 $0x0  }
0x1d: {  	s5 =	simm.s32 @p1 $0x1;
	p0 =	seq.s32 s7, s2  }
0x1e: {  	s7 =	smul.u32 @!p0 $0xF7A, s2;
	p2 =	seq.s32 @!p0 s5, $0x0  }
0x1f: {  	s9 =	smul.u32 $0xF7A, s1;
	s8 =	simm.s32 @!p0 $0x1BF5;
	p2 =	por !p2, p0  }
0x20: {  	[sflag:s8] =	ssyncset.s32 @!p0 $0xFFFFF086;
	s6 =	sadd.s32 @!p0 s3, s7;
	s7 =	simm.s32 @!p0 $0x108  }
0x21: {  	s3 =	sadd.s32 s3, s9;
	s6 =	sadd.s32 @!p0 $0x88, s6;
	s7 =	simm.s32 @p2 $0x1082  }
0x22: {  	[simem:s7], [sflag:s8] =	dma.local @!p0 [hbm:s6], $0xF7A  }
0x23: {  	s9 =	sor.u32 $0xD0000000, s2;
	s6 =	simm.s32 $0x108;
	_ =	swait.ge @!p0 [sflag:s8], $0x0  }
0x24: {  	s3 =	sadd.s32 $0x88, s3;
	s6 =	simm.s32 @!p1 $0x1082;
	[sflag:s4] =	ssyncset.s32 $0xFFFFF086  }
0x25: {  	[simem:s6], [sflag:s4] =	dma.local [hbm:s3], $0xF7A  }
0x26: {  	[smem:$0x3FA0] =	sst s1;
	(tag) =	ssettag s2;
	_ =	strace s9  }
0x27: {  	s1 =	sld [smem:$0x3FB0]  }
0x28: {  	s2 =	sld [smem:$0x3FB1]  }
0x29: {  	s4 =	sld [smem:$0x3FB3]  }
0x2a: {  	p0 =	seq.s32 s5, $0x0;
	s5 =	sld [smem:$0x3FB4]  }
0x2b: {  	s6 =	sld [smem:$0x3FB5]  }
0x2c: {  	s7 =	sld [smem:$0x3FB6]  }
0x2d: {  	s3 =	simm.s32 $0x108;
	s8 =	sld [smem:$0x3FB7]  }
0x2e: {  	s3 =	simm.s32 @!p0 $0x1082;
	s9 =	sld [smem:$0x3FB8]  }
0x2f: {  	lr =	sadd.s32 s0, s3;
	s0 =	sld [smem:$0x3FAF]  }
0x30: {  	s3 =	sld [smem:$0x3FB2]  }
0x31: {  	[smem:$0x3FBB] =	sst s10  }
0x32: {  	s10 =	sld [smem:$0x3FB9];
	_ =	sdelay $0x3  }
0x33: {  	p0 =	seq.s32 s10, $0x1;
	s10 =	sld [smem:$0x3FBB];
	_ =	sdelay $0x3  }
0x34: {  	[smem:$0x3FBB] =	sst s10  }
0x35: {  	s10 =	sld [smem:$0x3FBA];
	_ =	sdelay $0x3  }
0x36: {  	p1 =	seq.s32 s10, $0x1;
	s10 =	sld [smem:$0x3FBB];
	_ =	sdelay $0x3  }
0x37: {  	[smem:$0x3FBB] =	sst s10  }
0x38: {  	s10 =	sld [smem:$0x3FBC]  }
0x39: {  	_ = 	snop;
	(pc) =	sbr.ind lr, $3  }
0x3a: {  	_ = 	snop  }
0x3b: {  	_ = 	snop  }
0x3c: {  	p2 =	seq.s32 s10, $0x1;
	s10 =	sld [smem:$0x3FBB]  }
0x3d: {  	_ =	shalt  }
0x3e: {  	_ =	shalt  }
0x3f: {  	_ =	shalt  }
0x40: {  	_ =	shalt  }
0x41: {  	_ =	shalt  }
0x42: {  	_ =	shalt  }
0x43: {  	_ =	shalt  }
0x44: {  	_ =	shalt  }
0x45: {  	_ =	shalt  }
0x46: {  	_ =	shalt  }
0x47: {  	_ =	shalt  }
0x48: {  	_ =	shalt  }
0x49: {  	_ =	shalt  }
0x4a: {  	_ =	shalt  }
0x4b: {  	_ =	shalt  }
0x4c: {  	_ =	shalt  }
0x4d: {  	_ =	shalt  }
0x4e: {  	_ =	shalt  }
0x4f: {  	_ =	shalt  }
0x50: {  	_ =	shalt  }
0x51: {  	_ =	shalt  }
0x52: {  	_ =	shalt  }
0x53: {  	_ =	shalt  }
0x54: {  	_ =	shalt  }
0x55: {  	_ =	shalt  }
0x56: {  	_ =	shalt  }
0x57: {  	_ =	shalt  }
0x58: {  	_ =	shalt  }
0x59: {  	_ =	shalt  }
0x5a: {  	_ =	shalt  }
0x5b: {  	_ =	shalt  }
0x5c: {  	_ =	shalt  }
0x5d: {  	_ =	shalt  }
0x5e: {  	_ =	shalt  }
0x5f: {  	_ =	shalt  }
0x60: {  	_ =	shalt  }
0x61: {  	_ =	shalt  }
0x62: {  	_ =	shalt  }
0x63: {  	_ =	shalt  }
0x64: {  	_ =	shalt  }
0x65: {  	_ =	shalt  }
0x66: {  	_ =	shalt  }
0x67: {  	_ =	shalt  }
0x68: {  	_ =	shalt  }
0x69: {  	_ =	shalt  }
0x6a: {  	_ =	shalt  }
0x6b: {  	_ =	shalt  }
0x6c: {  	_ =	shalt  }
0x6d: {  	_ =	shalt  }
0x6e: {  	_ =	shalt  }
0x6f: {  	_ =	shalt  }
0x70: {  	_ =	shalt  }
0x71: {  	_ =	shalt  }
0x72: {  	_ =	shalt  }
0x73: {  	_ =	shalt  }
0x74: {  	_ =	shalt  }
0x75: {  	_ =	shalt  }
0x76: {  	_ =	shalt  }
0x77: {  	_ =	shalt  }
0x78: {  	_ =	shalt  }
0x79: {  	_ =	shalt  }
0x7a: {  	_ =	shalt  }
0x7b: {  	_ =	shalt  }
0x7c: {  	_ =	shalt  }
0x7d: {  	_ =	shalt  }
0x7e: {  	_ =	shalt  }
0x7f: {  	_ =	shalt  }
0x80: {  	_ =	shalt  }
0x81: {  	_ =	shalt  }
0x82: {  	_ =	shalt  }
0x83: {  	_ =	shalt  }
0x84: {  	_ =	shalt  }
0x85: {  	_ =	shalt  }
0x86: {  	_ =	shalt  }
0x87: {  	_ =	shalt  }
.Lfunc_end0:
.L_simem_size_0:
called_computation_lowered:
.L_overlay_start_0:
0x88: {  	s2 =	sld [smem:$0x3FD9]  }
0x89: {  	s3 =	sld [smem:$0x3FFE];
	_ =	sdelay $0x1  }
0x8a: {  	s1 =	srdreg.scid  }
0x8b: {  	s0 =	sand.u32 $0x1, s1  }
0x8c: {  	s14 =	sshll.u32 s0, $0xA;
	s2 =	sadd.s32 s3, s2  }
0x8d: {  	s2 =	sadd.s32 s2, s14  }
0x8e: {  	[smem:$0x3FC7] =	sst s2  }
0x8f: {  	_ = 	snop  }
0x90: {  	s2 =	sld [smem:$0x3FD0];
	_ =	sdelay $0x2  }
0x91: {  	s4 =	simm.s32 $0xA;
	s5 =	simm.s32 $0x10;
	s15 =	sld [smem:$0x3FC9]  }
0x92: {  	[smem:s5], [sflag:s4] =	dma.local [hbm:s2], $0x1  }
0x93: {  	_ =	swait.eq [sflag:s4], $0x1  }
0x94: {  	[sflag:s4] =	ssyncset.done $0x0  }
0x95: {  	[sflag:s4] =	ssyncadd.s32 $0xFFFFFFFF  }
0x96: {  	s16 =	sld [smem:$0x11];
	(tm) =	ssettm $0x1  }
0x97: {  	s17 =	sld [smem:$0x3FFB];
	_ =	sdelay $0x3  }
0x98: {  	_ =	strace s17  }
0x99: {  	s4 =	sld [smem:$0x3FFC];
	_ =	sdelay $0x3  }
0x9a: {  	_ =	strace s4  }
0x9b: {  	s4 =	sld [smem:$0x3FFD];
	_ =	sdelay $0x3  }
0x9c: {  	_ =	strace s4  }
0x9d: {  	_ =	strace $0x8FFFFFFF  }
0x9e: {  	s18 =	sld [smem:$0x3FDB];
	_ =	sdelay $0x1  }
0x9f: {  	s19 =	simm.s32 $_scs_section_size  }
0xa0: {  	s6 =	simm.s32 $_size__tile_overlayer_lowered;
	s7 =	simm.s32 $_tile_overlayer_lowered  }
0xa1: {  	s22 =	simm.s32 $0x1BFF;
	s21 =	sshll.u32 s7, $0x1;
	s4 =	sadd.s32 s19, s18  }
0xa2: {  	s8 =	simm.s32 $0x0;
	s20 =	sshll.u32 s6, $0x1;
	s6 =	sadd.s32 s21, s4  }
0xa3: {  	[timem:s8], [sflag:s22] =	dma.local [hbm:s6], s20  }
0xa4: {  	_ =	swait.ge [sflag:s22], s20  }
0xa5: {  	s5 =	ssub.s32 $0x0, s20;
	[sflag:s22] =	ssyncset.done $0x0  }
0xa6: {  	[sflag:s22] =	ssyncadd.s32 s5;
	_ =	sdelay $0x1  }
0xa7: {  	s23 =	simm.s32 $0x1B8B  }
0xa8: {  	_ =	swait.ge [sflag:s23], $0x1  }
0xa9: {  	[sflag:s23] =	ssyncset.done $0x0  }
0xaa: {  	s25 =	simm.s32 $0x1B8E;
	s24 =	sld [smem:$0x3FFE];
	[sflag:s23] =	ssyncadd.s32 $0xFFFFFFFF  }
0xab: {  	s26 =	simm.s32 $execute0_lowered;
	[smem:$0x3FD2] =	sst s25  }
0xac: {  	s6 =	sshll.u32 s26, $0x1;
	_ =	strace $0x80000046;
	[dreg:$0x1] =	wrdreg $0xFFFFFFFF  }
0xad: {  	s28 =	simm.s32 $_size_execute0_lowered;
	s4 =	sadd.s32 s4, s6;
	[dreg:$0x0] =	wrdreg $0x0  }
0xae: {  	s6 =	sshll.u32 s28, $0x1;
	[dreg:$0x2] =	wrdreg s4  }
0xaf: {  	[dreg:$0x3] =	wrdreg s6  }
0xb0: {  	[dreg:$0x4] =	wrdreg $0xC0  }
0xb1: {  	_ =	task [dreg:s8], $0x5FFFF  }
0xb2: {  	[dreg:$0x1] =	wrdreg $0xFFFFFFFF  }
0xb3: {  	[dreg:$0x0] =	wrdreg $0x60  }
0xb4: {  	[dreg:$0x2] =	wrdreg s15  }
0xb5: {  	[dreg:$0x3] =	wrdreg s16  }
0xb6: {  	[dreg:$0x4] =	wrdreg s24  }
0xb7: {  	[dreg:$0x5] =	wrdreg $0x9  }
0xb8: {  	_ =	task.clear_ibuf [dreg:s8], $0x6FFFF;
	_ =	strace $0x90000046  }
0xb9: {  	s29 =	simm.s32 $0x9;
	_ =	strace $0x80000048  }
0xba: {  	_ =	swait.ge [sflag:s29], $0x1  }
0xbb: {  	[sflag:s29] =	ssyncadd.s32 $0xFFFFFFFF  }
0xbc: {  	_ =	strace $0x90000048  }
0xbd: {  	_ =	sfence  }
0xbe: {  	s30 =	sld [smem:$0x0];
	_ =	sdelay $0x2  }
0xbf: {  	s31 =	sshll.u32 s1, $0xD;
	s1 =	sshrl.u32 s1, $0x2  }
0xc0: {  	s3 =	sand.u32 $0x4000, s31;
	s1 =	sadd.s32 s1, s30  }
0xc1: {  	s0 =	sor.u32 s3, s0;
	s1 =	sshll.u32 s1, $0x11  }
0xc2: {  	s0 =	sor.u32 s1, s0  }
0xc3: {  	s0 =	sadd.s32 $0x8F2B, s0  }
0xc4: {  	[sflag:s0] =	ssyncadd.remote.s32 $0x1  }
0xc5: {  	_ =	sfence.sel $0xFFFF  }
0xc6: {  	[dreg:$0x0] =	wrdreg $0xFFFFFFFF;
	(pc) =	sbr.abs _section_cstart, $3  }
0xc7: {  	[dreg:$0x1] =	wrdreg $0xFFFFFFFF  }
0xc8: {  	_ =	task.clear_ibuf [dreg:s8], $0x2FFFF;
	_ =	strace $0x9FFFFFFF  }
0xc9: {  	(tm) =	ssettm $0x7FFFFFFF  }
tec
execute0_lowered:
.L_overlay_start_1:
0x0: {  	(tag) =	ssettag $0x1  }
0x1: {  	s3 =	rddreg [dreg:$0x0]  }
0x2: {  	s4 =	rddreg [dreg:$0x1]  }
0x3: {  	s5 =	rddreg [dreg:$0x2]  }
0x4: {  	s0 =	rddreg [dreg:$0x3];
	s2 =	simm.s32 $0x0  }
0x5: {  	[smem:$0x7FF] =	sst s2  }
0x6: {  	s6 =	srdreg.scid;
	s1 =	stileid.u32;
	v0 =	vimm.f32 $6.999999880e-01;
	_ =	strace $0x80000047  }
0x7: {  	s11 =	simm.s32 $0x1A700;
	s12 =	simm.s32 $0x1A900;
	s13 =	simm.s32 $0x1AB00;
	(erf) = vrcp.f32 v0  }
0x8: {  	s14 =	simm.s32 $0x1AC00;
	s15 =	simm.s32 $0x1AB80;
	s16 =	simm.s32 $0x2  }
0x9: {  	s6 =	sand.u32 $0x1, s6;
	s7 =	sshll.u32 s1, $0x1;
	s8 =	sshrl.u32 s1, $0x2  }
0xa: {  	s17 =	simm.s32 $0x0;
	s7 =	sor.u32 s6, s7;
	s8 =	smul.u32 $0xC3800, s8  }
0xb: {  	s6 =	ssub.s32 $0x2, s6;
	s9 =	sshll.u32 s7, $0x7;
	s7 =	sshll.u32 s7, $0x3  }
.Ltmp0:
0xc: {  	s10 =	sshrl.u32 s6, $0x1;
	s9 =	sand.u32 $0x380, s9;
	(pc) =	sbr.rel .LBB2_1-.Ltmp0, $4  }
0xd: {  	s5 =	sadd.s32 s7, s5;
	s6 =	ssub.s32 s6, s10;
	s4 =	sadd.s32 s4, s7  }
0xe: {  	s7 =	simm.s32 $0x80;
	s10 =	simm.s32 $0x18700;
	s8 =	sor.u32 s8, s9  }
0xf: {  	v1 =	vimm.s32 $0x1;
	vm0 =	vmmov $0x1;
	s5 =	sadd.s32 $0x800, s5;
	s6 =	smax.u32 s6, $0x1;
	s8 =	sshrl.u32 s8, $0x3  }
0x10: {  	v3 =	vlaneseq.u32;
	v4 =	vimm.f32 $-Inf;
	v0 =	vimm.s32 $0x0;
	s9 =	simm.s32 $0x1;
	s3 =	sadd.s32 s3, s8;
	s8 =	simm.s32 $0x400;
	v2 =	vpop (erf)  }
.LBB2_52:
0x11: {  	v7 =	vld [tilespmem:$0x1AB00];
	_ =	sdelay $0x4  }
0x12: {  	v7 =	vmul.f32 v7, v2;
	_ =	sdelay $0x1  }
0x13: {  	v7 =	vsub.f32 v7, v5  }
0x14: {  	v6 =	vadd.f32 $0.0e+00, v6  }
0x15: {  	v7 =	vmul.f32 $1.442695020e+00, v7  }
0x16: {  	v6 =	vbroadcast v6, $0xF  }
0x17: {  	(erf) = vpow2.f32 v7  }
0x18: {  	(erf) = vrcp.f32 v6;
	_ =	sdelay $0x4  }
0x19: {  	v6 =	vld [tilespmem:$0x1AB10];
	_ =	sdelay $0x2  }
0x1a: {  	v7 =	vpop (erf)  }
0x1b: {  	v8 =	vpop (erf)  }
0x1c: {  	v6 =	vmul.f32 v6, v2;
	v7 =	vmul.f32 v7, v8;
	_ =	sdelay $0x1  }
0x1d: {  	v6 =	vsub.f32 v6, v5;
	(xrf2) =	vadd.scan.msk.f32 $0xffff, v7;
	_ =	sdelay $0x1  }
0x1e: {  	v6 =	vmul.f32 $1.442695020e+00, v6;
	_ =	sdelay $0x1  }
0x1f: {  	(erf) = vpow2.f32 v6;
	_ =	sdelay $0x4  }
0x20: {  	v6 =	vld [tilespmem:$0x1AB20]  }
0x21: {  	v9, _, _ =	vpop (xrf2)  }
0x22: {  	v9 =	vadd.f32 $0.0e+00, v9  }
0x23: {  	vm1 =	vmmov $0x7fff  }
0x24: {  	v11 =	vpop (erf);
	v10 =	vsel vm1, $0x0, v9  }
0x25: {  	v6 =	vmul.f32 v6, v2;
	v55 =	vmul.f32 v11, v8;
	(xrf2) =	vadd.scan.msk.f32 $0xffff, v10;
	_ =	sdelay $0x1  }
0x26: {  	v6 =	vsub.f32 v6, v5;
	(xrf2) =	vadd.scan.msk.f32 $0xffff, v55;
	_ =	sdelay $0x1  }
0x27: {  	v6 =	vmul.f32 $1.442695020e+00, v6;
	_ =	sdelay $0x1  }
0x28: {  	(erf) = vpow2.f32 v6;
	_ =	sdelay $0x3  }
0x29: {  	v6, _, _ =	vpop (xrf2)  }
0x2a: {  	v56 =	vld [tilespmem:$0x1AB30];
	v6 =	vbroadcast v6, $0xF  }
0x2b: {  	v12, _, _ =	vpop (xrf2)  }
0x2c: {  	v6 =	vadd.f32 v6, v12;
	_ =	sdelay $0x1  }
0x2d: {  	v13 =	vpop (erf);
	v12 =	vsel vm1, $0x0, v6  }
0x2e: {  	v11 =	vmul.f32 v56, v2;
	v57 =	vmul.f32 v13, v8;
	(xrf2) =	vadd.scan.msk.f32 $0xffff, v12;
	_ =	sdelay $0x1  }
0x2f: {  	v5 =	vsub.f32 v11, v5;
	(xrf2) =	vadd.scan.msk.f32 $0xffff, v57;
	_ =	sdelay $0x1  }
0x30: {  	v5 =	vmul.f32 $1.442695020e+00, v5;
	_ =	sdelay $0x1  }
0x31: {  	(erf) = vpow2.f32 v5;
	_ =	sdelay $0x3  }
0x32: {  	v5, _, _ =	vpop (xrf2)  }
0x33: {  	v5 =	vbroadcast v5, $0xF  }
0x34: {  	v58, _, _ =	vpop (xrf2)  }
0x35: {  	v5 =	vadd.f32 v5, v58;
	_ =	sdelay $0x1  }
0x36: {  	v59 =	vpop (erf);
	v11 =	vsel vm1, $0x0, v5  }
0x37: {  	v8 =	vmul.f32 v59, v8;
	(xrf2) =	vadd.scan.msk.f32 $0xffff, v11;
	_ =	sdelay $0x1  }
0x38: {  	(xrf2) =	vadd.scan.msk.f32 $0xffff, v8;
	_ =	sdelay $0x6  }
0x39: {  	v9 =	vsub.f32 v9, v7  }
0x3a: {  	v11, _, _ =	vpop (xrf2)  }
0x3b: {  	v6 =	vsub.f32 v6, v55;
	vm1 =	vgt.f32 v9, $9.499999880e-01;
	v60 =	vbroadcast v11, $0xF  }
0x3c: {  	v5 =	vsub.f32 v5, v57;
	v7 =	vsel vm1, $0x0, v7;
	v62, _, _ =	vpop (xrf2)  }
0x3d: {  	vm1 =	vgt.f32 v6, $9.499999880e-01;
	v61 =	vadd.f32 $0.0e+00, v7;
	v6 =	vadd.f32 v60, v62  }
0x3e: {  	v63 =	vsel vm1, $0x0, v55  }
0x3f: {  	vm1 =	vgt.f32 v5, $9.499999880e-01;
	v10 =	vadd.f32 v63, v61;
	v5 =	vsub.f32 v6, v8  }
0x40: {  	v6 =	vsel vm1, $0x0, v57  }
0x41: {  	v10 =	vadd.f32 v6, v10;
	vm1 =	vgt.f32 v5, $9.499999880e-01  }
0x42: {  	v5 =	vsel vm1, $0x0, v8  }
0x43: {  	v8 =	vadd.f32 v5, v10;
	_ =	sdelay $0x1  }
0x44: {  	(xrf2) =	vadd.scan.msk.f32 $0xffff, v8;
	_ =	sdelay $0x9  }
0x45: {  	v8, _, _ =	vpop (xrf2)  }
0x46: {  	v8 =	vadd.f32 $0.0e+00, v8;
	_ =	sdelay $0x1  }
0x47: {  	v8 =	vbroadcast v8, $0xF;
	_ =	sdelay $0x1  }
0x48: {  	(erf) = vrcp.f32 v8;
	_ =	sdelay $0x8  }
0x49: {  	[tilespmem:$0x1AB80] =	vst v7;
	v8 =	vpop (erf)  }
0x4a: {  	[tilespmem:$0x1AB90] =	vst v63;
	v7 =	vmul.f32 v8, v7  }
0x4b: {  	[tilespmem:$0x1ABA0] =	vst v6;
	v9 =	vmul.f32 v8, v63  }
0x4c: {  	v6 =	vmul.f32 v8, v6;
	[tilespmem:$0x1AB80] =	vst v7  }
0x4d: {  	v5 =	vmul.f32 v8, v5;
	[tilespmem:$0x1AB90] =	vst v9  }
0x4e: {  	[tilespmem:$0x1ABA0] =	vst v6  }
0x4f: {  	[tilespmem:$0x1ABB0] =	vst v5  }
0x50: {  	[hbm4b:s4+s2] =	stream.linear.scatter [tilespmem:s15], [sflag:$0x2], $0x40, $0x38;
	[tilespmem:$0x1AC80] =	vst v63  }
0x51: {  	s17 =	sadd.s32 $0x1, s17;
	_ =	swait.ge [sflag:s16], $0x40  }
0x52: {  	p0 =	sne.s32 s17, s6;
	[sflag:s16] =	ssyncset.done $0x0  }
.Ltmp1:
0x53: {  	[sflag:s16] =	ssyncadd.s32 $0xFFFFFFC0;
	(pc) =	sbr.rel @!p0 .LBB2_53-.Ltmp1, $4  }
0x54: {  	[hbm4b:s5+s2] =	stream.linear.scatter [tilespmem:s14], [sflag:$0x2], $0x40, $0x38;
	[tilespmem:$0x1AC80] =	vst v63  }
0x55: {  	_ =	swait.ge [sflag:s16], $0x40  }
0x56: {  	[sflag:s16] =	ssyncset.done $0x0  }
0x57: {  	[sflag:s16] =	ssyncadd.s32 $0xFFFFFFC0  }
.LBB2_1:
0x58: {  	[tilespmem:s2], [sflag:$0x1] =	stream.strided.gather [hbm4b:s3+s7], $0x18700, s8, s7, $0x38;
	[tilespmem:$0x1AC80] =	vst v63  }
0x59: {  	s18 =	simm.s32 $0x18740  }
0x5a: {  	[tilespmem:s18+$0xFFFFFFC0] =	vst v0  }
0x5b: {  	[tilespmem:s18+$0x30] =	vst v0  }
0x5c: {  	[tilespmem:s18+$0x20] =	vst v0  }
0x5d: {  	[tilespmem:s18+$0x10] =	vst v0  }
0x5e: {  	[tilespmem:s18+$0x0] =	vst v0  }
0x5f: {  	[tilespmem:s18+$0xFFFFFFF0] =	vst v0  }
0x60: {  	s19 =	simm.s32 $0x0;
	[tilespmem:s18+$0xFFFFFFE0] =	vst v0  }
.LBB2_2:
0x61: {  	s19 =	sadd.s32 $0x8, s19;
	[tilespmem:s18+$0xFFFFFFD0] =	vst v0;
	s18 =	sadd.s32 $0x80, s18  }
0x62: {  	[tilespmem:s18+$0xFFFFFFC0] =	vst v0;
	p0 =	slt.u32 s19, $0x1F8  }
0x63: {  	[tilespmem:s18+$0x30] =	vst v0  }
.Ltmp2:
0x64: {  	[tilespmem:s18+$0x20] =	vst v0;
	(pc) =	sbr.rel @p0 .LBB2_2-.Ltmp2, $4  }
0x65: {  	[tilespmem:s18+$0x10] =	vst v0  }
0x66: {  	[tilespmem:s18+$0x0] =	vst v0  }
0x67: {  	[tilespmem:s18+$0xFFFFFFF0] =	vst v0  }
0x68: {  	[tilespmem:s18+$0xFFFFFFE0] =	vst v0  }
0x69: {  	[tilespmem:s18+$0xFFFFFFD0] =	vst v0  }
0x6a: {  	_ =	swait.ge [sflag:s9], $0x18700  }
0x6b: {  	[sflag:s9] =	ssyncset.done $0x0  }
0x6c: {  	s31 =	simm.s32 $0x40;
	[sflag:s9] =	ssyncadd.s32 $0xFFFE7900  }
0x6d: {  	v5 =	vld [tilespmem:s31+$0xFFFFFFC0]  }
0x6e: {  	v6 =	vld [tilespmem:s31+$0xFFFFFFD0]  }
0x6f: {  	v7 =	vld [tilespmem:s31+$0xFFFFFFE0]  }
0x70: {  	v8 =	vld [tilespmem:s31+$0xFFFFFFF0]  }
0x71: {  	v10 =	vld [tilespmem:s31+$0x0]  }
0x72: {  	v14 =	vld [tilespmem:s31+$0x20]  }
0x73: {  	v17 =	vld [tilespmem:s31+$0x30];
	_ =	sdelay $0x1  }
0x74: {  	v9 =	vimm.f32 $-Inf  }
0x75: {  	vm1 =	vlt.s32 v5, $0x0;
	v11 =	vshra.s32 v5, $0x13;
	v5 =	vmax.f32 v9, v5  }
0x76: {  	v13 =	vshra.s32 v6, $0x13;
	v16 =	vshra.s32 v7, $0x13;
	v19 =	vshra.s32 v8, $0x13  }
0x77: {  	s18 =	simm.s32 $0xC0;
	v21 =	vshra.s32 v10, $0x13;
	v25 =	vshra.s32 v14, $0x13;
	v27 =	vshra.s32 v17, $0x13  }
0x78: {  	v63 =	vld [tilespmem:s18+$0x10];
	vm2 =	vlt.s32 v6, $0x0;
	vm3 =	vlt.s32 v7, $0x0;
	vm4 =	vlt.s32 v8, $0x0  }
0x79: {  	vm5 =	vlt.s32 v10, $0x0;
	vm7 =	vlt.s32 v17, $0x0;
	v12 =	vxor.u32 $0xFFF, v11  }
0x7a: {  	v29 =	vld [tilespmem:s18+$0xFFFFFFD0];
	v5 =	vmax.f32 v5, v6;
	v15 =	vxor.u32 $0xFFF, v13;
	v18 =	vxor.u32 $0xFFF, v16  }
0x7b: {  	v9 =	vld [tilespmem:s31+$0x10];
	v20 =	vxor.u32 $0xFFF, v19;
	v22 =	vxor.u32 $0xFFF, v21;
	v26 =	vxor.u32 $0xFFF, v25  }
0x7c: {  	v5 =	vmax.f32 v5, v7;
	v6 =	vsel vm1, v12, v11;
	vm1 =	vlt.s32 v14, $0x0  }
0x7d: {  	v7 =	vsel vm2, v15, v13;
	v11 =	vsel vm5, v22, v21;
	vm2 =	vlt.s32 v63, $0x0  }
0x7e: {  	v5 =	vmax.f32 v5, v8;
	v13 =	vsel vm1, v26, v25;
	v6 =	vadd.s32 $0x1000, v6  }
0x7f: {  	v26 =	vadd.s32 $0x1000, v11;
	v5 =	vmax.f32 v5, v10;
	v10 =	vsel vm4, v20, v19  }
0x80: {  	v8 =	vld [tilespmem:s18+$0xFFFFFFC0];
	v31 =	vadd.s32 $0x1000, v13;
	vm4 =	vlt.s32 v29, $0x0;
	v23 =	vshra.s32 v9, $0x13  }
0x81: {  	v5 =	vmax.f32 v5, v9;
	vm6 =	vlt.s32 v9, $0x0;
	v9 =	vsel vm3, v18, v16  }
0x82: {  	v25 =	vld [tilespmem:s18+$0xFFFFFFF0];
	v18 =	vadd.s32 $0x1000, v7;
	v24 =	vxor.u32 $0xFFF, v23;
	v5 =	vmax.f32 v5, v14  }
0x83: {  	v28 =	vmax.f32 v5, v17;
	v5 =	vxor.u32 $0xFFF, v27;
	v12 =	vsel vm6, v24, v23;
	v24 =	vld [tilespmem:s18+$0xFFFFFFE0]  }
0x84: {  	v21 =	vadd.s32 $0x1000, v10;
	v20 =	vadd.s32 $0x1000, v9;
	v5 =	vsel vm7, v5, v27  }
0x85: {  	v27 =	vld [tilespmem:s18+$0x0];
	v30 =	vadd.s32 $0x1000, v12;
	vm1 =	vlt.s32 v8, $0x0;
	v9 =	vmax.f32 v28, v8  }
0x86: {  	v7 =	vshra.s32 v8, $0x13;
	v8 =	vshra.s32 v29, $0x13;
	v12 =	vmax.f32 v9, v29;
	v9 =	vld [tilespmem:s18+$0x20]  }
0x87: {  	v14 =	vshra.s32 v25, $0x13;
	vm6 =	vlt.s32 v25, $0x0;
	v5 =	vadd.s32 $0x1000, v5;
	[tilespmem:v18+s10+$0x0] =	vst.idx.add.s32.msk $0xffff, v1  }
0x88: {  	v11 =	vxor.u32 $0xFFF, v7;
	v18 =	vshra.s32 v63, $0x13;
	v16 =	vmax.f32 v12, v24;
	v12 =	vld [tilespmem:s18+$0x30]  }
0x89: {  	[tilespmem:v6+s10+$0x0] =	vst.idx.add.s32.msk $0xffff, v1;
	v13 =	vxor.u32 $0xFFF, v8;
	v17 =	vxor.u32 $0xFFF, v14;
	v22 =	vxor.u32 $0xFFF, v18  }
0x8a: {  	[tilespmem:v26+s10+$0x0] =	vst.idx.add.s32.msk $0xffff, v1;
	v10 =	vshra.s32 v24, $0x13;
	vm3 =	vlt.s32 v24, $0x0;
	v19 =	vmax.f32 v16, v25  }
0x8b: {  	[tilespmem:v31+s10+$0x0] =	vst.idx.add.s32.msk $0xffff, v1;
	v15 =	vxor.u32 $0xFFF, v10;
	v16 =	vshra.s32 v27, $0x13;
	v6 =	vmax.f32 v19, v27  }
0x8c: {  	[tilespmem:v21+s10+$0x0] =	vst.idx.add.s32.msk $0xffff, v1;
	vm5 =	vlt.s32 v27, $0x0;
	v19 =	vxor.u32 $0xFFF, v16;
	v6 =	vmax.f32 v6, v63  }
0x8d: {  	[tilespmem:v20+s10+$0x0] =	vst.idx.add.s32.msk $0xffff, v1;
	v20 =	vshra.s32 v9, $0x13;
	v6 =	vmax.f32 v6, v9;
	v21 =	vshra.s32 v12, $0x13  }
0x8e: {  	s19 =	simm.s32 $0x8;
	[tilespmem:v30+s10+$0x0] =	vst.idx.add.s32.msk $0xffff, v1;
	v23 =	vxor.u32 $0xFFF, v20;
	v6 =	vmax.f32 v6, v12;
	v24 =	vxor.u32 $0xFFF, v21  }
.LBB2_4:
0x8f: {  	s19 =	sadd.s32 $0x8, s19;
	v7 =	vsel vm1, v11, v7;
	vm1 =	vlt.s32 v9, $0x0;
	vm7 =	vlt.s32 v12, $0x0;
	s18 =	sadd.s32 $0x80, s18;
	[tilespmem:v5+s10+$0x0] =	vst.idx.add.s32.msk $0xffff, v1  }
0x90: {  	v5 =	vsel vm4, v13, v8;
	v8 =	vsel vm3, v15, v10;
	v10 =	vsel vm6, v17, v14;
	v9 =	vld [tilespmem:s18+$0xFFFFFFC0];
	p0 =	slt.u32 s19, $0x1860  }
0x91: {  	v11 =	vsel vm5, v19, v16;
	v12 =	vsel vm2, v22, v18;
	v13 =	vsel vm1, v23, v20;
	v25 =	vld [tilespmem:s18+$0xFFFFFFD0]  }
0x92: {  	v16 =	vadd.s32 $0x1000, v7;
	v18 =	vadd.s32 $0x1000, v5;
	v5 =	vsel vm7, v24, v21;
	v26 =	vld [tilespmem:s18+$0xFFFFFFE0]  }
0x93: {  	v20 =	vadd.s32 $0x1000, v8;
	v21 =	vadd.s32 $0x1000, v10;
	v24 =	vadd.s32 $0x1000, v11;
	v27 =	vld [tilespmem:s18+$0xFFFFFFF0]  }
0x94: {  	v29 =	vadd.s32 $0x1000, v12;
	v30 =	vadd.s32 $0x1000, v13;
	v5 =	vadd.s32 $0x1000, v5;
	v28 =	vld [tilespmem:s18+$0x0]  }
0x95: {  	vm1 =	vlt.s32 v9, $0x0;
	v7 =	vshra.s32 v9, $0x13;
	v6 =	vmax.f32 v6, v9;
	v31 =	vld [tilespmem:s18+$0x10]  }
0x96: {  	v11 =	vxor.u32 $0xFFF, v7;
	v8 =	vshra.s32 v25, $0x13;
	v6 =	vmax.f32 v6, v25;
	v9 =	vld [tilespmem:s18+$0x20]  }
0x97: {  	v13 =	vxor.u32 $0xFFF, v8;
	v10 =	vshra.s32 v26, $0x13;
	v6 =	vmax.f32 v6, v26;
	v12 =	vld [tilespmem:s18+$0x30]  }
0x98: {  	v15 =	vxor.u32 $0xFFF, v10;
	v14 =	vshra.s32 v27, $0x13;
	v6 =	vmax.f32 v6, v27;
	[tilespmem:v16+s10+$0x0] =	vst.idx.add.s32.msk $0xffff, v1  }
0x99: {  	v17 =	vxor.u32 $0xFFF, v14;
	v16 =	vshra.s32 v28, $0x13;
	v6 =	vmax.f32 v6, v28;
	[tilespmem:v18+s10+$0x0] =	vst.idx.add.s32.msk $0xffff, v1  }
.Ltmp3:
0x9a: {  	v19 =	vxor.u32 $0xFFF, v16;
	v18 =	vshra.s32 v31, $0x13;
	v6 =	vmax.f32 v6, v31;
	[tilespmem:v20+s10+$0x0] =	vst.idx.add.s32.msk $0xffff, v1;
	(pc) =	sbr.rel @p0 .LBB2_4-.Ltmp3, $4  }
0x9b: {  	v22 =	vxor.u32 $0xFFF, v18;
	v20 =	vshra.s32 v9, $0x13;
	v6 =	vmax.f32 v6, v9;
	[tilespmem:v21+s10+$0x0] =	vst.idx.add.s32.msk $0xffff, v1  }
0x9c: {  	s20 =	simm.s32 $0x0;
	v23 =	vxor.u32 $0xFFF, v20;
	v21 =	vshra.s32 v12, $0x13;
	v6 =	vmax.f32 v6, v12;
	[tilespmem:v24+s10+$0x0] =	vst.idx.add.s32.msk $0xffff, v1  }
0x9d: {  	vm4 =	vlt.s32 v25, $0x0;
	vm3 =	vlt.s32 v26, $0x0;
	v24 =	vxor.u32 $0xFFF, v21;
	[tilespmem:v29+s10+$0x0] =	vst.idx.add.s32.msk $0xffff, v1  }
0x9e: {  	vm6 =	vlt.s32 v27, $0x0;
	vm5 =	vlt.s32 v28, $0x0;
	vm2 =	vlt.s32 v31, $0x0;
	[tilespmem:v30+s10+$0x0] =	vst.idx.add.s32.msk $0xffff, v1  }
0x9f: {  	v7 =	vsel vm1, v11, v7  }
0xa0: {  	v8 =	vsel vm4, v13, v8;
	v7 =	vadd.s32 $0x1000, v7  }
0xa1: {  	v10 =	vsel vm3, v15, v10;
	v8 =	vadd.s32 $0x1000, v8  }
0xa2: {  	v60 =	vsel vm6, v17, v14;
	v10 =	vadd.s32 $0x1000, v10  }
0xa3: {  	v61 =	vsel vm5, v19, v16;
	v11 =	vadd.s32 $0x1000, v60  }
0xa4: {  	vm1 =	vlt.s32 v9, $0x0;
	[tilespmem:v5+s10+$0x0] =	vst.idx.add.s32.msk $0xffff, v1;
	v5 =	vsel vm2, v22, v18;
	v62 =	vadd.s32 $0x1000, v61  }
0xa5: {  	vm2 =	vlt.s32 v12, $0x0;
	v63 =	vsel vm1, v23, v20;
	v5 =	vadd.s32 $0x1000, v5;
	[tilespmem:v7+s10+$0x0] =	vst.idx.add.s32.msk $0xffff, v1  }
0xa6: {  	v12 =	vadd.s32 $0x1000, v63;
	v7 =	vsel vm2, v24, v21;
	[tilespmem:v8+s10+$0x0] =	vst.idx.add.s32.msk $0xffff, v1  }
0xa7: {  	[tilespmem:v10+s10+$0x0] =	vst.idx.add.s32.msk $0xffff, v1;
	v7 =	vadd.s32 $0x1000, v7  }
0xa8: {  	[tilespmem:v11+s10+$0x0] =	vst.idx.add.s32.msk $0xffff, v1  }
0xa9: {  	[tilespmem:v62+s10+$0x0] =	vst.idx.add.s32.msk $0xffff, v1  }
0xaa: {  	[tilespmem:v5+s10+$0x0] =	vst.idx.add.s32.msk $0xffff, v1  }
0xab: {  	[tilespmem:v12+s10+$0x0] =	vst.idx.add.s32.msk $0xffff, v1  }
0xac: {  	[tilespmem:v7+s10+$0x0] =	vst.idx.add.s32.msk $0xffff, v1  }
.LBB2_6:
0xad: {  	s18 =	sshra.s32 s20, $0x2  }
0xae: {  	v5 =	vld [tilespmem:s18+$0x18680];
	_ =	sdelay $0x4  }
0xaf: {  	v7 =	vshra.s32 v5, $0x13  }
0xb0: {  	vm1 =	vlt.s32 v5, $0x0;
	v8 =	vxor.u32 $0xFFF, v7  }
0xb1: {  	v7 =	vsel vm1, v8, v7  }
0xb2: {  	p0 =	sne.s32 s20, $0x40;
	v7 =	vadd.s32 $0x1000, v7  }
.Ltmp4:
0xb3: {  	_ = 	snop;
	(pc) =	sbr.rel @p0 .LBB2_6-.Ltmp4, $2  }
0xb4: {  	_ =	sdelay $0x2  }
0xb5: {  	s20 =	sadd.s32 $0x40, s20;
	v6 =	vmax.f32 v6, v5;
	[tilespmem:v7+s10+$0x0] =	vst.idx.add.s32.msk $0xffff, v1  }
0xb6: {  	(xrf0) =	vmax.scan.msk.f32 $0xffff, v6;
	_ =	sdelay $0x5  }
0xb7: {  	v5, _, _ =	vpop (xrf0)  }
0xb8: {  	v5 =	vbroadcast v5, $0xF;
	_ =	sdelay $0x1  }
0xb9: {  	vm1 =	vlt.s32 v5, $0x0;
	v6 =	vxor.u32 $0x7FFFFFFF, v5  }
0xba: {  	v6 =	vsel vm1, v6, v5  }
0xbb: {  	v6 =	vnsel vm0, $0x0, v6  }
0xbc: {  	(xrf0) =	vadd.scan.msk.s32 $0xffff, v6;
	_ =	sdelay $0x5  }
0xbd: {  	v6, _, _ =	vpop (xrf0)  }
0xbe: {  	(v2sf) =	vpush v6, $0xF;
	_ =	sdelay $0xe  }
0xbf: {  	s18 =	spop (v2sf)  }
0xc0: {  	s19 =	sshra.s32 s18, $0x13;
	s18 =	sand.u32 $0x780000, s18  }
0xc1: {  	p0 =	slt.s32 s19, $0xFFFFF001;
	p1 =	sne.s32 s18, $0x0  }
0xc2: {  	p0 =	por !p0, !p1  }
0xc3: {  	s31 =	sadd.s32 $0x1000, s19;
	s19 =	simm.s32 $0x1;
	p0 =	por !p0, !p0  }
0xc4: {  	s18 =	sshrl.u32 s31, $0x4;
	s19 =	simm.s32 @!p0 $0x0  }
0xc5: {  	s18 =	ssub.s32 s18, s19  }
0xc6: {  	p0 =	slt.s32 s18, $0x0  }
.Ltmp5:
0xc7: {  	_ = 	snop;
	(pc) =	sbr.rel @p0 .LBB2_8-.Ltmp5, $1  }
0xc8: {  	_ =	sdelay $0x3  }
0xc9: {  	s19 =	sshll.u32 s18, $0x6;
	s20 =	ssub.s32 $0x0, s18  }
0xca: {  	s22 =	sshllo.u32 s18, $0x4;
	s18 =	simm.s32 $0x0;
	s19 =	sshra.s32 s19, $0x2  }
0xcb: {  	s23 =	simm.s32 $0x0;
	s21 =	sadd.s32 $0x18700, s19;
	s19 =	simm.s32 $0x0  }
.LBB2_10:
0xcc: {  	v6 =	vld [tilespmem:s21+$0x0];
	_ =	sdelay $0x1  }
0xcd: {  	v7 =	vmul.u32 $0xFFFFFFFF, v3;
	_ =	sdelay $0x1  }
0xce: {  	v7 =	vadd.s32 $0xF, v7  }
0xcf: {  	v7 =	vperm.xlane v6, v7;
	_ =	sdelay $0x1  }
0xd0: {  	(xrf0) =	vadd.scan.msk.s32 $0xffff, v7;
	_ =	sdelay $0x5  }
0xd1: {  	s24 =	ssub.s32 $0x40, s23;
	v7, _, _ =	vpop (xrf0)  }
0xd2: {  	vm1 =	vge.s32 v7, s24  }
0xd3: {  	v8 =	vmpcnt.ones.xlane vm1  }
0xd4: {  	v9 =	vmctz.xlane vm1  }
0xd5: {  	v8 =	vnsel vm0, $0x0, v8  }
0xd6: {  	v59 =	vnsel vm0, $0x0, v9;
	(xrf0) =	vadd.scan.msk.s32 $0xffff, v8  }
0xd7: {  	(xrf0) =	vadd.scan.msk.s32 $0xffff, v59;
	_ =	sdelay $0x4  }
0xd8: {  	v60, _, _ =	vpop (xrf0)  }
0xd9: {  	(v2sf) =	vpush v60, $0xF;
	v61, _, _ =	vpop (xrf0)  }
0xda: {  	(v2sf) =	vpush v61, $0xF;
	_ =	sdelay $0xd  }
0xdb: {  	s24 =	spop (v2sf)  }
0xdc: {  	v8 =	vbroadcast v61, $0xF;
	s25 =	spop (v2sf)  }
0xdd: {  	s26 =	ssub.s32 $0xF, s25  }
0xde: {  	vm1 =	veq.s32 v8, v3;
	v62 =	vmov s26  }
0xdf: {  	v63 =	vnsel vm1, $0x0, v7;
	vm1 =	veq.s32 v62, v3  }
0xe0: {  	(xrf0) =	vadd.scan.msk.s32 $0xffff, v63;
	v6 =	vnsel vm1, $0x0, v6;
	vm1 =	vmmov $0x7fff  }
0xe1: {  	(xrf0) =	vadd.scan.msk.s32 $0xffff, v6;
	v6 =	vsel vm1, $0x0, v7  }
0xe2: {  	(xrf0) =	vadd.scan.msk.s32 $0xffff, v6;
	_ =	sdelay $0x3  }
0xe3: {  	v6, _, _ =	vpop (xrf0)  }
0xe4: {  	(v2sf) =	vpush v6, $0xF;
	v7, _, _ =	vpop (xrf0)  }
0xe5: {  	(v2sf) =	vpush v7, $0xF;
	v6, _, _ =	vpop (xrf0)  }
0xe6: {  	(v2sf) =	vpush v6, $0xF;
	_ =	sdelay $0xb  }
0xe7: {  	p0 =	seq.s32 s20, $0x0  }
0xe8: {  	p1 =	sgt.s32 s24, $0x0;
	p2 =	slt.s32 @!p0 s24, $0x1;
	s31 =	spop (v2sf)  }
0xe9: {  	s25 =	ssub.s32 s22, s25;
	s26 =	sadd.s32 s23, s31;
	s28 =	spop (v2sf)  }
0xea: {  	s19 =	smov.u32 @p1 s25;
	s29 =	spop (v2sf);
	s26 =	ssub.s32 s26, s28  }
0xeb: {  	s29 =	simm.s32 @p1 $0x0;
	s18 =	smov.u32 @p1 s26;
	p1 =	por p0, !p2  }
.Ltmp6:
0xec: {  	_ = 	snop;
	(pc) =	sbr.rel @!p1 .LBB2_10-.Ltmp6, $3  }
0xed: {  	_ =	sdelay $0x1  }
0xee: {  	s20 =	sadd.s32 $0x1, s20  }
0xef: {  	s21 =	sadd.s32 $0xFFFFFFF0, s21;
	s22 =	sadd.s32 $0xFFFFFFF0, s22;
	s23 =	sadd.s32 s23, s29  }
.Ltmp7:
0xf0: {  	(pc) =	sbr.rel .LBB2_12-.Ltmp7, $2  }
0xf1: {  	_ =	sdelay $0x2  }
0xf2: {  	s19 =	smov.u32 @p0 s19;
	s18 =	smov.u32 @p0 s18  }
.LBB2_8:
0xf3: {  	s19 =	simm.s32 $0x0;
	s18 =	simm.s32 $0x0  }
.LBB2_12:
0xf4: {  	s20 =	sshra.s32 s19, $0x1F  }
0xf5: {  	s20 =	sshrl.u32 s20, $0x1C  }
0xf6: {  	s20 =	sadd.s32 s20, s19  }
0xf7: {  	s21 =	sand.u32 $0xFFFFFFF0, s20  }
0xf8: {  	p0 =	slt.s32 s19, $0x1;
	p1 =	sne.s32 s19, s21  }
0xf9: {  	p0 =	por !p0, !p1  }
0xfa: {  	s21 =	simm.s32 $0x1;
	p0 =	por !p0, !p0  }
0xfb: {  	s20 =	sshrl.u32 s20, $0x4;
	s21 =	simm.s32 @!p0 $0x0  }
0xfc: {  	s20 =	ssub.s32 s20, s21  }
0xfd: {  	s20 =	sshll.u32 s20, $0x6  }
0xfe: {  	s20 =	sshra.s32 s20, $0x2  }
0xff: {  	v6 =	vld [tilespmem:s20+$0x18700];
	_ =	sdelay $0x1  }
0x100: {  	s30 =	sand.u32 $0xF, s19  }
0x101: {  	v7 =	vmov s30  }
0x102: {  	vm1 =	veq.s32 v7, v3  }
0x103: {  	v6 =	vnsel vm1, $0x0, v6  }
0x104: {  	(xrf0) =	vadd.scan.msk.s32 $0xffff, v6;
	_ =	sdelay $0x5  }
0x105: {  	v6, _, _ =	vpop (xrf0)  }
0x106: {  	(v2sf) =	vpush v6, $0xF;
	_ =	sdelay $0xe  }
0x107: {  	s31 =	spop (v2sf)  }
0x108: {  	s20 =	sadd.s32 s18, s31  }
0x109: {  	p0 =	sgt.s32 s20, $0x200  }
.Ltmp8:
0x10a: {  	_ = 	snop;
	(pc) =	sbr.rel @p0 .LBB2_13-.Ltmp8, $2  }
0x10b: {  	_ =	sdelay $0x2  }
0x10c: {  	s20 =	sadd.s32 $0xFFFFF000, s19  }
.Ltmp9:
0x10d: {  	(pc) =	sbr.rel .LBB2_27-.Ltmp9, $2  }
0x10e: {  	_ =	sdelay $0x2  }
0x10f: {  	s21 =	sshll.u32 s20, $0x13;
	s18 =	simm.s32 $0x0;
	p0 =	por $0x0, $0x0  }
.LBB2_13:
0x110: {  	s19 =	simm.s32 $0x18740  }
0x111: {  	[tilespmem:s19+$0xFFFFFFC0] =	vst v0  }
0x112: {  	[tilespmem:s19+$0x30] =	vst v0  }
0x113: {  	[tilespmem:s19+$0x20] =	vst v0  }
0x114: {  	[tilespmem:s19+$0x10] =	vst v0  }
0x115: {  	[tilespmem:s19+$0x0] =	vst v0  }
0x116: {  	[tilespmem:s19+$0xFFFFFFF0] =	vst v0  }
0x117: {  	s21 =	simm.s32 $0x0;
	[tilespmem:s19+$0xFFFFFFE0] =	vst v0  }
.LBB2_14:
0x118: {  	s21 =	sadd.s32 $0x8, s21;
	[tilespmem:s19+$0xFFFFFFD0] =	vst v0;
	s19 =	sadd.s32 $0x80, s19  }
0x119: {  	[tilespmem:s19+$0xFFFFFFC0] =	vst v0;
	p0 =	slt.u32 s21, $0x78  }
0x11a: {  	[tilespmem:s19+$0x30] =	vst v0  }
.Ltmp10:
0x11b: {  	[tilespmem:s19+$0x20] =	vst v0;
	(pc) =	sbr.rel @p0 .LBB2_14-.Ltmp10, $4  }
0x11c: {  	[tilespmem:s19+$0x10] =	vst v0  }
0x11d: {  	[tilespmem:s19+$0x0] =	vst v0  }
0x11e: {  	[tilespmem:s19+$0xFFFFFFF0] =	vst v0  }
0x11f: {  	[tilespmem:s19+$0xFFFFFFE0] =	vst v0  }
0x120: {  	[tilespmem:s19+$0xFFFFFFD0] =	vst v0;
	v6 =	vmov s20;
	s19 =	simm.s32 $0x0;
	s24 =	simm.s32 $0x0;
	s22 =	simm.s32 $0x40  }
.LBB2_16:
0x121: {  	p0 =	sne.s32 s22, $0x61A40;
	v7 =	vld [tilespmem:s24+$0x0];
	_ =	sdelay $0x4  }
0x122: {  	vm1 =	vlt.s32 v7, $0x0;
	v8 =	vxor.u32 $0x7FFFFFFF, v7  }
0x123: {  	v7 =	vsel vm1, v8, v7  }
0x124: {  	v8 =	vshra.s32 v7, $0x13  }
0x125: {  	v7 =	vshrl.u32 v7, $0x8;
	vm1 =	veq.s32 v8, v6  }
0x126: {  	v7 =	vand.u32 $0x7FF, v7  }
.Ltmp11:
0x127: {  	(pc) =	sbr.rel @p0 .LBB2_16-.Ltmp11, $3  }
0x128: {  	_ =	sdelay $0x1  }
0x129: {  	s21 =	simm.s32 $0x18EF0  }
0x12a: {  	s24 =	sshra.s32 s22, $0x2;
	s22 =	sadd.s32 $0x40, s22;
	s23 =	simm.s32 $0x7FF;
	[tilespmem:v7+s10+$0x0] =	vst.idx.add.s32.msk vm1, v1  }
0x12b: {  	v7 =	vld [tilespmem:s24+$0x0];
	_ =	sdelay $0x4  }
0x12c: {  	vm1 =	vlt.s32 v7, $0x0;
	v8 =	vxor.u32 $0x7FFFFFFF, v7  }
0x12d: {  	v7 =	vsel vm1, v8, v7  }
0x12e: {  	v8 =	vshra.s32 v7, $0x13  }
0x12f: {  	vm1 =	veq.s32 v8, v6;
	v6 =	vshrl.u32 v7, $0x8  }
0x130: {  	v6 =	vand.u32 $0x7FF, v6;
	_ =	sdelay $0x4  }
0x131: {  	s22 =	simm.s32 $0x0;
	[tilespmem:v6+s10+$0x0] =	vst.idx.add.s32.msk vm1, v1  }
.LBB2_18:
0x132: {  	v7 =	vld [tilespmem:s21+$0x0];
	_ =	sdelay $0x1  }
0x133: {  	v6 =	vmul.u32 $0xFFFFFFFF, v3;
	_ =	sdelay $0x1  }
0x134: {  	v6 =	vadd.s32 $0xF, v6  }
0x135: {  	v8 =	vperm.xlane v7, v6;
	_ =	sdelay $0x1  }
0x136: {  	(xrf0) =	vadd.scan.msk.s32 $0xffff, v8;
	_ =	sdelay $0x5  }
0x137: {  	s24 =	ssub.s32 $0x40, s18;
	v8, _, _ =	vpop (xrf0)  }
0x138: {  	vm1 =	vge.s32 v8, s24  }
0x139: {  	v9 =	vmpcnt.ones.xlane vm1  }
0x13a: {  	v10 =	vmctz.xlane vm1  }
0x13b: {  	v9 =	vnsel vm0, $0x0, v9  }
0x13c: {  	v59 =	vnsel vm0, $0x0, v10;
	(xrf0) =	vadd.scan.msk.s32 $0xffff, v9  }
0x13d: {  	(xrf0) =	vadd.scan.msk.s32 $0xffff, v59;
	_ =	sdelay $0x4  }
0x13e: {  	v60, _, _ =	vpop (xrf0)  }
0x13f: {  	(v2sf) =	vpush v60, $0xF;
	v61, _, _ =	vpop (xrf0)  }
0x140: {  	(v2sf) =	vpush v61, $0xF;
	_ =	sdelay $0xd  }
0x141: {  	s24 =	spop (v2sf)  }
0x142: {  	v9 =	vbroadcast v61, $0xF;
	s25 =	spop (v2sf)  }
0x143: {  	s26 =	ssub.s32 $0xF, s25  }
0x144: {  	vm1 =	veq.s32 v9, v3;
	v62 =	vmov s26  }
0x145: {  	v63 =	vnsel vm1, $0x0, v8;
	vm1 =	veq.s32 v62, v3  }
0x146: {  	(xrf0) =	vadd.scan.msk.s32 $0xffff, v63;
	v7 =	vnsel vm1, $0x0, v7;
	vm1 =	vmmov $0x7fff  }
0x147: {  	(xrf0) =	vadd.scan.msk.s32 $0xffff, v7;
	v7 =	vsel vm1, $0x0, v8  }
0x148: {  	(xrf0) =	vadd.scan.msk.s32 $0xffff, v7;
	_ =	sdelay $0x3  }
0x149: {  	v7, _, _ =	vpop (xrf0)  }
0x14a: {  	(v2sf) =	vpush v7, $0xF;
	v8, _, _ =	vpop (xrf0)  }
0x14b: {  	(v2sf) =	vpush v8, $0xF;
	v7, _, _ =	vpop (xrf0)  }
0x14c: {  	(v2sf) =	vpush v7, $0xF;
	_ =	sdelay $0x9  }
0x14d: {  	p0 =	seq.s32 s23, $0xF  }
0x14e: {  	p1 =	slt.s32 @!p0 s24, $0x1  }
0x14f: {  	p0 =	por p0, !p1  }
.Ltmp12:
0x150: {  	s31 =	spop (v2sf);
	(pc) =	sbr.rel @!p0 .LBB2_18-.Ltmp12, $4  }
0x151: {  	s21 =	sadd.s32 $0xFFFFFFF0, s21;
	p1 =	sgt.s32 s24, $0x0;
	s28 =	spop (v2sf)  }
0x152: {  	s25 =	ssub.s32 s23, s25;
	s26 =	sadd.s32 s18, s31;
	s24 =	spop (v2sf)  }
0x153: {  	s23 =	sadd.s32 $0xFFFFFFF0, s23;
	s26 =	ssub.s32 s26, s28;
	s24 =	simm.s32 @p1 $0x0  }
0x154: {  	s22 =	smov.u32 @p1 s25;
	s19 =	smov.u32 @p1 s26;
	s18 =	sadd.s32 s18, s24  }
0x155: {  	s18 =	sshra.s32 s22, $0x1F  }
0x156: {  	s18 =	sshrl.u32 s18, $0x1C  }
0x157: {  	s18 =	sadd.s32 s18, s22  }
0x158: {  	s21 =	sand.u32 $0xFFFFFFF0, s18  }
0x159: {  	p0 =	slt.s32 s22, $0x1;
	p1 =	sne.s32 s22, s21  }
0x15a: {  	p0 =	por !p0, !p1  }
0x15b: {  	s21 =	simm.s32 $0x1;
	p0 =	por !p0, !p0  }
0x15c: {  	s18 =	sshrl.u32 s18, $0x4;
	s21 =	simm.s32 @!p0 $0x0  }
0x15d: {  	s18 =	ssub.s32 s18, s21  }
0x15e: {  	s18 =	sshll.u32 s18, $0x6  }
0x15f: {  	s18 =	sshra.s32 s18, $0x2  }
0x160: {  	v7 =	vld [tilespmem:s18+$0x18700];
	_ =	sdelay $0x1  }
0x161: {  	s29 =	sand.u32 $0xF, s22  }
0x162: {  	v8 =	vmov s29  }
0x163: {  	vm2 =	veq.s32 v8, v3  }
0x164: {  	v7 =	vnsel vm2, $0x0, v7  }
0x165: {  	(xrf0) =	vadd.scan.msk.s32 $0xffff, v7;
	_ =	sdelay $0x5  }
0x166: {  	v7, _, _ =	vpop (xrf0)  }
0x167: {  	(v2sf) =	vpush v7, $0xF;
	_ =	sdelay $0xe  }
0x168: {  	s30 =	spop (v2sf)  }
0x169: {  	s18 =	sadd.s32 s19, s30  }
0x16a: {  	p2 =	slt.s32 s18, $0x201  }
.Ltmp13:
0x16b: {  	_ = 	snop;
	(pc) =	sbr.rel @p2 .LBB2_27-.Ltmp13, $3  }
0x16c: {  	_ =	sdelay $0x1  }
0x16d: {  	s31 =	sshll.u32 s20, $0x13;
	s23 =	sshll.u32 s22, $0x8;
	p1 =	por $0x1, $0x1  }
0x16e: {  	p0 =	por $0x0, $0x0;
	s21 =	sor.u32 s31, s23;
	s18 =	simm.s32 $0x0  }
.LBB2_20:
0x16f: {  	s18 =	sshra.s32 s18, $0x2  }
0x170: {  	[tilespmem:s18+$0x18700] =	vst v0  }
0x171: {  	[tilespmem:s18+$0x18710] =	vst v0  }
0x172: {  	p0 =	por p1, p1;
	[tilespmem:s18+$0x18720] =	vst v0  }
.Ltmp14:
0x173: {  	[tilespmem:s18+$0x18730] =	vst v0;
	(pc) =	sbr.rel @p0 .LBB2_20-.Ltmp14, $4  }
0x174: {  	[tilespmem:s18+$0x18740] =	vst v0  }
0x175: {  	[tilespmem:s18+$0x18750] =	vst v0  }
0x176: {  	[tilespmem:s18+$0x18760] =	vst v0  }
0x177: {  	p1 =	por $0x0, $0x0;
	[tilespmem:s18+$0x18770] =	vst v0;
	s18 =	simm.s32 $0x200  }
0x178: {  	s18 =	sshll.u32 s20, $0xB  }
0x179: {  	s18 =	sor.u32 s18, s22  }
0x17a: {  	s24 =	simm.s32 $0x0;
	s23 =	simm.s32 $0x40;
	v7 =	vmov s18;
	s18 =	simm.s32 $0x0  }
.LBB2_22:
0x17b: {  	p0 =	sne.s32 s23, $0x61A40;
	v8 =	vld [tilespmem:s24+$0x0];
	_ =	sdelay $0x4  }
0x17c: {  	vm2 =	vlt.s32 v8, $0x0;
	v9 =	vxor.u32 $0x7FFFFFFF, v8  }
0x17d: {  	v8 =	vsel vm2, v9, v8  }
0x17e: {  	v9 =	vshra.s32 v8, $0x8  }
0x17f: {  	vm2 =	veq.s32 v9, v7  }
0x180: {  	v8 =	vand.u32 $0xFF, v8  }
.Ltmp15:
0x181: {  	(pc) =	sbr.rel @p0 .LBB2_22-.Ltmp15, $3  }
0x182: {  	_ =	sdelay $0x1  }
0x183: {  	s20 =	simm.s32 $0x187F0  }
0x184: {  	s24 =	sshra.s32 s23, $0x2;
	s23 =	sadd.s32 $0x40, s23;
	s22 =	simm.s32 $0xFF;
	[tilespmem:v8+s10+$0x0] =	vst.idx.add.s32.msk vm2, v1  }
0x185: {  	v8 =	vld [tilespmem:s24+$0x0];
	_ =	sdelay $0x4  }
0x186: {  	vm2 =	vlt.s32 v8, $0x0;
	v9 =	vxor.u32 $0x7FFFFFFF, v8  }
0x187: {  	v8 =	vsel vm2, v9, v8  }
0x188: {  	v9 =	vshra.s32 v8, $0x8  }
0x189: {  	vm2 =	veq.s32 v9, v7  }
0x18a: {  	v7 =	vand.u32 $0xFF, v8;
	_ =	sdelay $0x4  }
0x18b: {  	[tilespmem:v7+s10+$0x0] =	vst.idx.add.s32.msk vm2, v1  }
.LBB2_24:
0x18c: {  	v7 =	vld [tilespmem:s20+$0x0];
	_ =	sdelay $0x4  }
0x18d: {  	v7 =	vperm.xlane v7, v6;
	_ =	sdelay $0x1  }
0x18e: {  	(xrf0) =	vadd.scan.msk.s32 $0xffff, v7;
	_ =	sdelay $0x5  }
0x18f: {  	s23 =	ssub.s32 $0x40, s19;
	v7, _, _ =	vpop (xrf0)  }
0x190: {  	vm2 =	vge.s32 v7, s23  }
0x191: {  	v8 =	vmpcnt.ones.xlane vm2;
	_ =	sdelay $0x1  }
0x192: {  	v8 =	vnsel vm0, $0x0, v8  }
0x193: {  	(xrf0) =	vadd.scan.msk.s32 $0xffff, v8  }
0x194: {  	v9 =	vmctz.xlane vm2;
	_ =	sdelay $0x1  }
0x195: {  	v7 =	vsel vm1, $0x0, v7;
	v8 =	vnsel vm0, $0x0, v9  }
0x196: {  	(xrf0) =	vadd.scan.msk.s32 $0xffff, v8  }
0x197: {  	(xrf0) =	vadd.scan.msk.s32 $0xffff, v7  }
0x198: {  	v7, _, _ =	vpop (xrf0)  }
0x199: {  	(v2sf) =	vpush v7, $0xF;
	_ =	sdelay $0x2  }
0x19a: {  	v8, _, _ =	vpop (xrf0)  }
0x19b: {  	(v2sf) =	vpush v8, $0xF;
	v7, _, _ =	vpop (xrf0)  }
0x19c: {  	(v2sf) =	vpush v7, $0xF;
	_ =	sdelay $0x9  }
0x19d: {  	p1 =	seq.s32 s22, $0xF;
	s23 =	spop (v2sf)  }
0x19e: {  	p2 =	slt.s32 @!p1 s23, $0x1  }
0x19f: {  	p1 =	por p1, !p2  }
.Ltmp16:
0x1a0: {  	_ = 	snop;
	(pc) =	sbr.rel @!p1 .LBB2_24-.Ltmp16, $4  }
0x1a1: {  	s24 =	spop (v2sf)  }
0x1a2: {  	p0 =	sgt.s32 s23, $0x0;
	s25 =	spop (v2sf)  }
0x1a3: {  	s20 =	sadd.s32 $0xFFFFFFF0, s20;
	s23 =	ssub.s32 s22, s24;
	s25 =	simm.s32 @p0 $0x0  }
0x1a4: {  	s22 =	sadd.s32 $0xFFFFFFF0, s22;
	s18 =	smov.u32 @p0 s23;
	s19 =	sadd.s32 s19, s25  }
0x1a5: {  	s18 =	sor.u32 s21, s18  }
0x1a6: {  	p0 =	por $0x1, $0x1;
	s21 =	sadd.s32 $0x1, s18  }
.LBB2_27:
0x1a7: {  	s19 =	simm.s32 $0x40  }
0x1a8: {  	v17 =	vld [tilespmem:s19+$0xFFFFFFD0]  }
0x1a9: {  	v7 =	vld [tilespmem:s19+$0x20]  }
0x1aa: {  	v11 =	vld [tilespmem:s19+$0x0]  }
0x1ab: {  	v9 =	vld [tilespmem:s19+$0xFFFFFFF0]  }
0x1ac: {  	v13 =	vld [tilespmem:s19+$0xFFFFFFE0]  }
0x1ad: {  	v5 =	vmul.f32 v5, v2;
	v6 =	vmov s21;
	v12 =	vld [tilespmem:s19+$0x10]  }
0x1ae: {  	v19 =	vimm.s32 $0x0;
	v8 =	vmul.f32 v17, v2;
	v14 =	vxor.u32 $0x7FFFFFFF, v17  }
0x1af: {  	vm1 =	vlt.s32 v17, $0x0;
	vm2 =	vlt.s32 v7, $0x0;
	v16 =	vxor.u32 $0x7FFFFFFF, v7  }
0x1b0: {  	vm3 =	vlt.s32 v11, $0x0;
	v18 =	vxor.u32 $0x7FFFFFFF, v11;
	v21 =	vmul.f32 v9, v2  }
0x1b1: {  	vm5 =	vlt.s32 v9, $0x0;
	vm6 =	vlt.s32 v13, $0x0;
	v22 =	vmul.f32 v13, v2  }
0x1b2: {  	v23 =	vxor.u32 $0x7FFFFFFF, v9;
	v24 =	vmul.f32 v12, v2;
	v25 =	vxor.u32 $0x7FFFFFFF, v13  }
0x1b3: {  	v26 =	vxor.u32 $0x7FFFFFFF, v12;
	v16 =	vsel vm2, v16, v7;
	v14 =	vsel vm1, v14, v17  }
0x1b4: {  	vm1 =	vlt.s32 v12, $0x0;
	v18 =	vsel vm3, v18, v11;
	v8 =	vsub.f32 v8, v5  }
0x1b5: {  	v10 =	vld [tilespmem:s19+$0xFFFFFFC0];
	v25 =	vsel vm6, v25, v13;
	v22 =	vsub.f32 v22, v5;
	v21 =	vsub.f32 v21, v5  }
0x1b6: {  	vm7 =	vge.s32 v14, v6;
	vm2 =	vge.s32 v18, v6;
	v14 =	vmul.f32 v7, v2  }
0x1b7: {  	v18 =	vsel vm5, v23, v9;
	vm8 =	vge.s32 v25, v6;
	v20 =	vmul.f32 $1.442695020e+00, v8  }
0x1b8: {  	v23 =	vsel vm2, $0x1, v0;
	v33 =	vmpcnt.ones.xlane vm7;
	v8 =	vld [tilespmem:s19+$0x30];
	v29 =	vmul.f32 $1.442695020e+00, v22  }
0x1b9: {  	vm6 =	vge.s32 v18, v6;
	v21 =	vmul.f32 $1.442695020e+00, v21;
	(erf) = vpow2.f32 v20  }
0x1ba: {  	v20 =	vsub.f32 v24, v5;
	v24 =	vsel vm1, v26, v12;
	v26 =	vmul.f32 v10, v2  }
0x1bb: {  	vm1 =	vlt.s32 v10, $0x0;
	vm4 =	vge.s32 v24, v6;
	v24 =	vxor.u32 $0x7FFFFFFF, v10  }
0x1bc: {  	v28 =	vsel vm6, $0x1, v0;
	v27 =	vsel vm4, $0x1, v0;
	v22 =	vsel vm1, v24, v10  }
0x1bd: {  	v26 =	vsub.f32 v26, v5;
	vm1 =	vlt.s32 v8, $0x0;
	v24 =	vxor.u32 $0x7FFFFFFF, v8  }
0x1be: {  	(erf) = vpow2.f32 v21;
	vm5 =	vge.s32 v22, v6;
	(xrf0) =	vadd.scan.msk.s32 $0xffff, v27;
	v22 =	vsel vm1, v24, v8  }
0x1bf: {  	v24 =	vmul.f32 $1.442695020e+00, v26;
	v26 =	vsel vm7, $0x1, v0;
	vm1 =	vge.s32 v16, v6  }
0x1c0: {  	vm3 =	vge.s32 v22, v6;
	v18 =	vsel vm1, $0x1, v0;
	v22 =	vmul.f32 v11, v2;
	(xrf0) =	vadd.scan.msk.s32 $0xffff, v26  }
0x1c1: {  	v20 =	vmul.f32 $1.442695020e+00, v20;
	v16 =	vsel vm5, $0x1, v0;
	v26 =	vsub.f32 v14, v5;
	(xrf0) =	vadd.scan.msk.s32 $0xffff, v18  }
0x1c2: {  	v21 =	vsub.f32 v22, v5;
	v22 =	vmul.f32 v8, v2;
	(xrf0) =	vadd.scan.msk.s32 $0xffff, v16;
	v16 =	vmpcnt.ones.xlane vm5  }
0x1c3: {  	v25 =	vsel vm3, $0x1, v0;
	(erf) = vpow2.f32 v24;
	(xrf0) =	vadd.scan.msk.s32 $0xffff, v23;
	v23 =	vmpcnt.ones.xlane vm8  }
0x1c4: {  	v21 =	vmul.f32 $1.442695020e+00, v21;
	v27 =	vsub.f32 v22, v5;
	v24, _, _ =	vpop (xrf0);
	v16 =	vadd.s32 v19, v16;
	(xrf0) =	vadd.scan.msk.s32 $0xffff, v28  }
0x1c5: {  	v18 =	vpop (erf);
	v22 =	vmul.f32 $1.442695020e+00, v26;
	v26 =	vmpcnt.ones.xlane vm6;
	v28 =	vadd.s32 v16, v33  }
0x1c6: {  	v30 =	vmpcnt.ones.xlane vm2;
	v62, _, _ =	vpop (xrf0);
	(erf) = vpow2.f32 v21;
	v21 =	vadd.s32 v28, v23  }
0x1c7: {  	v31 =	vmpcnt.ones.xlane vm4;
	(erf) = vpow2.f32 v20;
	v20, _, _ =	vpop (xrf0);
	v23 =	vadd.s32 v21, v26  }
0x1c8: {  	v32 =	vsel vm8, $0x1, v0;
	(xrf0) =	vadd.scan.msk.s32 $0xffff, v25;
	v16 =	vadd.s32 v62, v16;
	v25, _, _ =	vpop (xrf0);
	v63 =	vadd.s32 v23, v30  }
0x1c9: {  	(erf) = vpow2.f32 v29;
	v29, _, _ =	vpop (xrf0);
	v30 =	vadd.s32 v25, v19;
	v19 =	vadd.s32 v63, v31  }
0x1ca: {  	v16 =	vadd.s32 $0xFFFFFFFF, v16;
	v25 =	vadd.s32 v29, v23;
	v29 =	vadd.s32 v20, v19;
	v20, _, _ =	vpop (xrf0);
	(xrf0) =	vadd.scan.msk.s32 $0xffff, v32  }
0x1cb: {  	v15 =	vimm.f32 $0.0e+00  }
0x1cc: {  	s31 =	simm.s32 $0x10;
	vm4 =	vmmov vm4;
	v34 =	vmpcnt.ones.xlane vm1;
	v31 =	vadd.s32 v20, v21  }
0x1cd: {  	v14 =	vor.u32 s31, v3;
	v26 =	vmpcnt.ones.xlane vm3;
	v24 =	vadd.s32 v24, v63;
	v23 =	vpop (erf)  }
0x1ce: {  	s21 =	simm.s32 $0x70;
	s20 =	simm.s32 $0x60;
	s22 =	simm.s32 $0x0;
	v19 =	vadd.s32 v19, v34;
	v20 =	vadd.s32 $0xFFFFFFFF, v24;
	v21 =	vadd.s32 $0xFFFFFFFF, v29;
	v29, _, _ =	vpop (xrf0)  }
0x1cf: {  	s25 =	simm.s32 $0x50;
	s23 =	simm.s32 $0xF0;
	s24 =	simm.s32 $0xC0;
	v25 =	vadd.s32 $0xFFFFFFFF, v25;
	v24 =	vadd.s32 $0xFFFFFFFF, v31;
	[tilespmem:v16+s11+$0x0] =	vst.idx.msk vm7, v17;
	v29 =	vadd.s32 v29, v19;
	v31 =	vpop (erf)  }
.LBB2_28:
0x1d0: {  	v17 =	vld [tilespmem:s24+$0xFFFFFFD0];
	s26 =	sadd.s32 $0xFFFFFFF0, s23;
	s22 =	sadd.s32 $0x8, s22;
	v32 =	vor.u32 s25, v3;
	v27 =	vmul.f32 $1.442695020e+00, v27;
	v19 =	vadd.s32 v19, v26;
	s19 =	simm.s32 $0x18680;
	v26, _, _ =	vpop (xrf0)  }
0x1d1: {  	v30 =	vadd.s32 $0xFFFFFFFF, v30;
	s25 =	sadd.s32 $0xFFFFFFC0, s21;
	v33 =	vld [tilespmem:s24+$0x20];
	p1 =	slt.u32 s22, $0x1860;
	v26 =	vadd.s32 v26, v28;
	v28 =	vor.u32 s20, v3;
	v34 =	vpop (erf);
	s20 =	smov.u32 s26  }
0x1d2: {  	v37 =	vor.u32 s21, v3;
	s26 =	sadd.s32 $0xFFFFFF90, s21;
	v36 =	vor.u32 s25, v3;
	s25 =	sadd.s32 $0xFFFFFFD0, s21;
	v35 =	vld [tilespmem:s24+$0x30];
	v26 =	vadd.s32 $0xFFFFFFFF, v26;
	v38 =	vpop (erf)  }
0x1d3: {  	vm9 =	vmmov vm7;
	v40 =	vor.u32 s26, v3;
	s26 =	sadd.s32 $0xFFFFFFB0, s21;
	v41 =	vor.u32 s25, v3;
	s21 =	smov.u32 s23;
	v39 =	vld [tilespmem:s24+$0x0];
	[tilespmem:v20+s11+$0x0] =	vst.idx.msk vm4, v12  }
0x1d4: {  	v12 =	vadd.f32 v31, v15;
	v15 =	vor.u32 s26, v3;
	[tilespmem:v24+s11+$0x0] =	vst.idx.msk vm6, v9;
	v9 =	vld [tilespmem:s24+$0xFFFFFFF0];
	v31 =	vpop (erf);
	(erf) = vpow2.f32 v27  }
0x1d5: {  	v27 =	vmul.f32 v17, v2;
	v42 =	vxor.u32 $0x7FFFFFFF, v17;
	v43 =	vld [tilespmem:s24+$0xFFFFFFE0];
	[tilespmem:v25+s11+$0x0] =	vst.idx.msk vm2, v11;
	(erf) = vpow2.f32 v22  }
0x1d6: {  	vm10 =	vlt.s32 v17, $0x0;
	v44 =	vadd.f32 v18, v12;
	vm11 =	vlt.s32 v33, $0x0;
	[tilespmem:v30+s11+$0x0] =	vst.idx.msk vm5, v10;
	v10 =	vld [tilespmem:s24+$0xFFFFFFC0]  }
0x1d7: {  	v22 =	vxor.u32 $0x7FFFFFFF, v33;
	v18 =	vsub.f32 v27, v5;
	v12 =	vld [tilespmem:s24+$0x10];
	[tilespmem:v26+s11+$0x0] =	vst.idx.msk vm8, v13;
	v13 =	vadd.s32 $0xFFFFFFFF, v29  }
0x1d8: {  	v29 =	vadd.f32 v31, v44;
	vm7 =	vlt.s32 v39, $0x0;
	v27 =	vxor.u32 $0x7FFFFFFF, v39;
	[tilespmem:v26+s12+$0x0] =	vst.idx.msk vm8, v15;
	v11 =	vmovc v39  }
0x1d9: {  	v15 =	vmul.f32 $1.442695020e+00, v18;
	v18 =	vmul.f32 v9, v2;
	vm8 =	vlt.s32 v9, $0x0;
	[tilespmem:v30+s12+$0x0] =	vst.idx.msk vm5, v40  }
0x1da: {  	v22 =	vsel vm11, v22, v33;
	v39 =	vadd.f32 v23, v29;
	vm5 =	vlt.s32 v43, $0x0;
	[tilespmem:v25+s12+$0x0] =	vst.idx.msk vm2, v41  }
0x1db: {  	v29 =	vxor.u32 $0x7FFFFFFF, v9;
	v25 =	vsel vm10, v42, v17;
	v26 =	vmul.f32 v43, v2;
	[tilespmem:v24+s12+$0x0] =	vst.idx.msk vm6, v36  }
0x1dc: {  	v24 =	vxor.u32 $0x7FFFFFFF, v43;
	v30 =	vmul.f32 v12, v2;
	vm2 =	vlt.s32 v12, $0x0;
	[tilespmem:v13+s11+$0x0] =	vst.idx.msk vm3, v8;
	v8 =	vmovc v35  }
0x1dd: {  	v35 =	vxor.u32 $0x7FFFFFFF, v12;
	(erf) = vpow2.f32 v15;
	v15 =	vadd.f32 v34, v39;
	[tilespmem:v13+s12+$0x0] =	vst.idx.msk vm3, v37;
	v23 =	vpop (erf)  }
0x1de: {  	v34 =	vmul.f32 v10, v2;
	v35 =	vsel vm2, v35, v12;
	v30 =	vsub.f32 v30, v5;
	v31 =	vpop (erf)  }
0x1df: {  	v26 =	vsub.f32 v26, v5;
	v13 =	vmovc v43;
	vm10 =	vge.s32 v35, v6;
	v15 =	vadd.f32 v38, v15  }
0x1e0: {  	vm2 =	vlt.s32 v10, $0x0;
	v35 =	vsel vm10, $0x1, v0;
	v30 =	vmul.f32 $1.442695020e+00, v30;
	[tilespmem:v21+s11+$0x0] =	vst.idx.msk vm1, v7;
	v7 =	vmovc v33  }
0x1e1: {  	v36 =	vmul.f32 $1.442695020e+00, v26;
	v33 =	vxor.u32 $0x7FFFFFFF, v10;
	(xrf0) =	vadd.scan.msk.s32 $0xffff, v35;
	[tilespmem:v21+s12+$0x0] =	vst.idx.msk vm1, v28  }
0x1e2: {  	v18 =	vsub.f32 v18, v5;
	v26 =	vsel vm7, v27, v11;
	v21 =	vsel vm2, v33, v10  }
0x1e3: {  	v27 =	vxor.u32 $0x7FFFFFFF, v8;
	vm1 =	vlt.s32 v8, $0x0;
	v15 =	vadd.f32 v31, v15;
	[tilespmem:v20+s12+$0x0] =	vst.idx.msk vm4, v32  }
0x1e4: {  	vm7 =	vge.s32 v25, v6;
	vm2 =	vge.s32 v26, v6;
	v20 =	vmul.f32 v7, v2  }
0x1e5: {  	v25 =	vsel vm8, v29, v9;
	v26 =	vsel vm2, $0x1, v0;
	v15 =	vadd.f32 v23, v15;
	[tilespmem:v16+s12+$0x0] =	vst.idx.msk vm9, v14  }
0x1e6: {  	v23 =	vmul.f32 $1.442695020e+00, v18;
	v14 =	vsub.f32 v34, v5;
	v16 =	vsel vm5, v24, v13;
	v18 =	vpop (erf)  }
0x1e7: {  	vm5 =	vge.s32 v21, v6;
	v21 =	vmpcnt.ones.xlane vm10;
	v24 =	vsel vm1, v27, v8;
	v29, _, _ =	vpop (xrf0)  }
0x1e8: {  	vm3 =	vge.s32 v24, v6;
	v28 =	vmul.f32 $1.442695020e+00, v14;
	v14 =	vsel vm7, $0x1, v0  }
0x1e9: {  	vm6 =	vge.s32 v25, v6;
	vm1 =	vge.s32 v22, v6;
	vm8 =	vge.s32 v16, v6  }
0x1ea: {  	v16 =	vsel vm5, $0x1, v0;
	v22 =	vsel vm1, $0x1, v0;
	v24 =	vsel vm3, $0x1, v0  }
0x1eb: {  	v25 =	vsel vm6, $0x1, v0;
	v31 =	vmpcnt.ones.xlane vm2;
	v27 =	vmul.f32 v11, v2;
	(xrf0) =	vadd.scan.msk.s32 $0xffff, v14  }
0x1ec: {  	v20 =	vsub.f32 v20, v5;
	v32 =	vsel vm8, $0x1, v0;
	(erf) = vpow2.f32 v23;
	(xrf0) =	vadd.scan.msk.s32 $0xffff, v22  }
0x1ed: {  	s25 =	sadd.s32 $0xFFFFFFA0, s23;
	vm4 =	vmmov vm10;
	v22 =	vsub.f32 v27, v5;
	v23 =	vmul.f32 v8, v2;
	(xrf0) =	vadd.scan.msk.s32 $0xffff, v16  }
0x1ee: {  	v33 =	vmpcnt.ones.xlane vm7;
	v14 =	vor.u32 s25, v3;
	v16 =	vmpcnt.ones.xlane vm5;
	(xrf0) =	vadd.scan.msk.s32 $0xffff, v26  }
0x1ef: {  	v26 =	vmul.f32 $1.442695020e+00, v22;
	v27 =	vsub.f32 v23, v5;
	(erf) = vpow2.f32 v28  }
0x1f0: {  	v34 =	vmpcnt.ones.xlane vm8;
	v22 =	vmul.f32 $1.442695020e+00, v20;
	v16 =	vadd.s32 v19, v16;
	(xrf0) =	vadd.scan.msk.s32 $0xffff, v25  }
0x1f1: {  	v20 =	vmpcnt.ones.xlane vm6;
	v28 =	vadd.s32 v16, v33;
	v25, _, _ =	vpop (xrf0);
	(erf) = vpow2.f32 v26;
	(xrf0) =	vadd.scan.msk.s32 $0xffff, v24  }
0x1f2: {  	v24 =	vadd.s32 v28, v34;
	v16 =	vadd.s32 v25, v16;
	(erf) = vpow2.f32 v30;
	v25, _, _ =	vpop (xrf0)  }
0x1f3: {  	v26 =	vmpcnt.ones.xlane vm3;
	v20 =	vadd.s32 v24, v20;
	v16 =	vadd.s32 $0xFFFFFFFF, v16;
	v23, _, _ =	vpop (xrf0);
	(xrf0) =	vadd.scan.msk.s32 $0xffff, v32  }
.Ltmp17:
0x1f4: {  	v31 =	vadd.s32 v20, v31;
	v32 =	vmpcnt.ones.xlane vm1;
	(erf) = vpow2.f32 v36;
	v33, _, _ =	vpop (xrf0);
	(pc) =	sbr.rel @p1 .LBB2_28-.Ltmp17, $4  }
0x1f5: {  	v30 =	vadd.s32 v23, v19;
	v19 =	vadd.s32 v31, v21;
	v33 =	vadd.s32 v33, v20;
	v23 =	vpop (erf)  }
0x1f6: {  	v20 =	vadd.s32 v29, v31;
	v21 =	vadd.s32 v25, v19;
	v19 =	vadd.s32 v19, v32;
	v25, _, _ =	vpop (xrf0)  }
0x1f7: {  	v20 =	vadd.s32 $0xFFFFFFFF, v20;
	v21 =	vadd.s32 $0xFFFFFFFF, v21;
	v24 =	vadd.s32 v25, v24;
	v29, _, _ =	vpop (xrf0)  }
0x1f8: {  	s23 =	sadd.s32 $0x80, s23;
	s24 =	sadd.s32 $0x80, s24;
	s25 =	sadd.s32 $0xFFFFFFE0, s21;
	v25 =	vadd.s32 $0xFFFFFFFF, v33;
	[tilespmem:v16+s11+$0x0] =	vst.idx.msk vm7, v17;
	v24 =	vadd.s32 $0xFFFFFFFF, v24;
	v29 =	vadd.s32 v29, v19;
	v31 =	vpop (erf)  }
0x1f9: {  	_ =	sdelay $0x2  }
0x1fa: {  	v17, _, _ =	vpop (xrf0);
	v30 =	vadd.s32 $0xFFFFFFFF, v30  }
0x1fb: {  	v27 =	vmul.f32 $1.442695020e+00, v27;
	v58 =	vadd.f32 v31, v15;
	v17 =	vadd.s32 v17, v28  }
0x1fc: {  	[tilespmem:v24+s11+$0x0] =	vst.idx.msk vm6, v9;
	v59 =	vpop (erf);
	v17 =	vadd.s32 $0xFFFFFFFF, v17  }
0x1fd: {  	[tilespmem:v25+s11+$0x0] =	vst.idx.msk vm2, v11;
	(erf) = vpow2.f32 v27;
	v9 =	vpop (erf);
	v11 =	vadd.f32 v18, v58  }
0x1fe: {  	[tilespmem:v20+s11+$0x0] =	vst.idx.msk vm4, v12;
	(erf) = vpow2.f32 v22;
	v60 =	vpop (erf)  }
0x1ff: {  	[tilespmem:v21+s11+$0x0] =	vst.idx.msk vm1, v7;
	v11 =	vadd.f32 v60, v11  }
0x200: {  	s22 =	sadd.s32 $0xFFFFFFB0, s21;
	v61 =	vadd.s32 $0xFFFFFFFF, v29;
	[tilespmem:v30+s11+$0x0] =	vst.idx.msk vm5, v10  }
0x201: {  	s30 =	sadd.s32 $0xFFFFFFD0, s21;
	v10 =	vor.u32 s22, v3;
	[tilespmem:v17+s11+$0x0] =	vst.idx.msk vm8, v13;
	v11 =	vadd.f32 v23, v11  }
0x202: {  	[tilespmem:v17+s12+$0x0] =	vst.idx.msk vm8, v10;
	v10 =	vor.u32 s30, v3  }
0x203: {  	[tilespmem:v25+s12+$0x0] =	vst.idx.msk vm2, v10;
	v10 =	vadd.f32 v59, v11;
	v11 =	vor.u32 s21, v3  }
0x204: {  	[tilespmem:v16+s12+$0x0] =	vst.idx.msk vm7, v14  }
0x205: {  	[tilespmem:v61+s11+$0x0] =	vst.idx.msk vm3, v8  }
0x206: {  	v7 =	vor.u32 s25, v3;
	[tilespmem:v61+s12+$0x0] =	vst.idx.msk vm3, v11;
	v8 =	vadd.f32 v9, v10;
	v11 =	vpop (erf)  }
0x207: {  	s31 =	sadd.s32 $0xFFFFFFC0, s21;
	[tilespmem:v20+s12+$0x0] =	vst.idx.msk vm4, v7;
	v9 =	vor.u32 s20, v3;
	v10 =	vpop (erf)  }
0x208: {  	s29 =	sadd.s32 $0xFFFFFF90, s21;
	v63 =	vor.u32 s31, v3;
	[tilespmem:v21+s12+$0x0] =	vst.idx.msk vm1, v9;
	v9 =	vadd.f32 v10, v8  }
0x209: {  	v62 =	vor.u32 s29, v3;
	[tilespmem:v24+s12+$0x0] =	vst.idx.msk vm6, v63  }
0x20a: {  	[tilespmem:v30+s12+$0x0] =	vst.idx.msk vm5, v62;
	vm2 =	vmmov vm7;
	s20 =	simm.s32 $0x18680;
	v8 =	vadd.s32 v19, v26;
	v7 =	vadd.f32 v11, v9  }
.LBB2_30:
0x20b: {  	v9 =	vld [tilespmem:s19+$0x0];
	_ =	sdelay $0x4  }
0x20c: {  	vm1 =	vlt.s32 v9, $0x0;
	v10 =	vxor.u32 $0x7FFFFFFF, v9  }
0x20d: {  	v10 =	vsel vm1, v10, v9  }
0x20e: {  	v11 =	vmul.f32 v9, v2;
	vm1 =	vge.s32 v10, v6  }
0x20f: {  	v10 =	vsel vm1, $0x1, v0  }
0x210: {  	v11 =	vsub.f32 v11, v5;
	(xrf0) =	vadd.scan.msk.s32 $0xffff, v10;
	_ =	sdelay $0x1  }
0x211: {  	v10 =	vmul.f32 $1.442695020e+00, v11;
	_ =	sdelay $0x1  }
0x212: {  	(erf) = vpow2.f32 v10;
	_ =	sdelay $0x1  }
0x213: {  	v10, _, _ =	vpop (xrf0)  }
0x214: {  	v10 =	vadd.s32 v10, v8  }
0x215: {  	v10 =	vadd.s32 $0xFFFFFFFF, v10  }
0x216: {  	p1 =	sne.s32 s20, $0x18690  }
.Ltmp18:
0x217: {  	_ = 	snop;
	(pc) =	sbr.rel @p1 .LBB2_30-.Ltmp18, $4  }
0x218: {  	_ = 	snop  }
0x219: {  	v11 =	vmpcnt.ones.xlane vm1  }
0x21a: {  	v12 =	vpop (erf);
	[tilespmem:v10+s11+$0x0] =	vst.idx.msk vm1, v9;
	v9 =	vor.u32 s20, v3  }
0x21b: {  	s19 =	sadd.s32 $0x10, s19;
	v8 =	vadd.s32 v8, v11;
	v7 =	vadd.f32 v12, v7;
	s20 =	sadd.s32 $0x10, s20;
	[tilespmem:v10+s12+$0x0] =	vst.idx.msk vm1, v9  }
0x21c: {  	v6 =	vnsel vm0, $0x0, v8  }
0x21d: {  	(xrf0) =	vadd.scan.msk.s32 $0xffff, v6;
	_ =	sdelay $0x5  }
0x21e: {  	v6, _, _ =	vpop (xrf0)  }
0x21f: {  	(v2sf) =	vpush v6, $0xF;
	_ =	sdelay $0xc  }
0x220: {  	(xrf2) =	vadd.scan.msk.f32 $0xffff, v7;
	_ =	sdelay $0x1  }
0x221: {  	s19 =	spop (v2sf)  }
0x222: {  	p1 =	slt.s32 s19, $0x40  }
0x223: {  	p0 =	por !p0, !p1  }
0x224: {  	p0 =	por !p0, !p0  }
.Ltmp19:
0x225: {  	_ = 	snop;
	(pc) =	sbr.rel @!p0 .LBB2_35-.Ltmp19, $2  }
0x226: {  	_ =	sdelay $0x2  }
0x227: {  	v6, _, _ =	vpop (xrf2)  }
0x228: {  	v7 =	vmov s18;
	s21 =	simm.s32 $0x0;
	s18 =	simm.s32 $0x0;
	s20 =	simm.s32 $0x0  }
.LBB2_33:
0x229: {  	v8 =	vld [tilespmem:s20+$0x0];
	_ =	sdelay $0x4  }
0x22a: {  	vm1 =	vlt.s32 v8, $0x0;
	v9 =	vxor.u32 $0x7FFFFFFF, v8  }
0x22b: {  	v9 =	vsel vm1, v9, v8  }
0x22c: {  	vm1 =	veq.s32 v9, v7  }
0x22d: {  	v9 =	vmpcnt.ones.xlane vm1  }
0x22e: {  	v10 =	vsel vm1, $0x1, v0  }
0x22f: {  	(xrf0) =	vadd.scan.msk.s32 $0xffff, v10;
	v9 =	vnsel vm0, $0x0, v9  }
0x230: {  	(xrf0) =	vadd.scan.msk.s32 $0xffff, v9;
	_ =	sdelay $0x4  }
0x231: {  	v61, _, _ =	vpop (xrf0)  }
0x232: {  	v62, _, _ =	vpop (xrf0)  }
0x233: {  	(v2sf) =	vpush v62, $0xF;
	_ =	sdelay $0xc  }
0x234: {  	v63 =	vmov s19  }
0x235: {  	v10 =	vadd.s32 $0xFFFFFFFF, v63  }
0x236: {  	v10 =	vbroadcast v10, $0x0;
	s22 =	spop (v2sf)  }
0x237: {  	p0 =	sgt.u32 s21, $0x1868;
	s19 =	sadd.s32 s19, s22  }
0x238: {  	v9 =	vadd.s32 v61, v10;
	p1 =	slt.s32 @!p0 s19, $0x40  }
0x239: {  	p1 =	por p0, !p1  }
.Ltmp20:
0x23a: {  	_ = 	snop;
	(pc) =	sbr.rel @!p1 .LBB2_33-.Ltmp20, $3  }
0x23b: {  	_ =	sdelay $0x1  }
0x23c: {  	[tilespmem:v9+s11+$0x0] =	vst.idx.msk vm1, v8;
	v8 =	vor.u32 s18, v3  }
0x23d: {  	s21 =	sadd.s32 $0x1, s21;
	s20 =	sadd.s32 $0x10, s20;
	s18 =	sadd.s32 $0x10, s18;
	[tilespmem:v9+s12+$0x0] =	vst.idx.msk vm1, v8  }
0x23e: {  	s19 =	smov.u32 @p0 s19  }
.LBB2_35:
0x23f: {  	s18 =	sadd.s32 $0xF, s19  }
0x240: {  	s20 =	sand.u32 $0xF, s18  }
0x241: {  	s21 =	sshra.s32 s18, $0x1F;
	p0 =	slt.s32 s18, $0x1;
	p1 =	sne.s32 s20, $0x0  }
0x242: {  	s31 =	sshrl.u32 s21, $0x1C;
	p0 =	por !p0, !p1  }
0x243: {  	s20 =	simm.s32 $0x1;
	s18 =	sadd.s32 s31, s18;
	p0 =	por !p0, !p0  }
0x244: {  	s18 =	sshra.s32 s18, $0x4;
	s20 =	simm.s32 @!p0 $0x0  }
0x245: {  	s18 =	ssub.s32 s18, s20  }
0x246: {  	p0 =	slt.s32 s18, $0x1  }
.Ltmp21:
0x247: {  	_ = 	snop;
	(pc) =	sbr.rel @p0 .LBB2_42-.Ltmp21, $1  }
0x248: {  	_ =	sdelay $0x3  }
0x249: {  	p2 =	sne.s32 s18, $0x1  }
.Ltmp22:
0x24a: {  	_ = 	snop;
	(pc) =	sbr.rel @!p2 .LBB2_37-.Ltmp22, $3  }
0x24b: {  	_ =	sdelay $0x1  }
0x24c: {  	s20 =	simm.s32 $0x1A700  }
0x24d: {  	v7 =	vmov s19;
	s19 =	simm.s32 $0x0;
	s21 =	sadd.s32 $0xFFFFFFFF, s18;
	p1 =	por $0x0, $0x0;
	v8 =	vld [tilespmem:s20+$0x0]  }
0x24e: {  	_ = 	snop  }
0x24f: {  	p2 =	sne.s32 s21, $0x1  }
.Ltmp23:
0x250: {  	v9 =	vor.u32 s19, v3;
	(pc) =	sbr.rel @!p2 .LBB2_39-.Ltmp23, $4  }
0x251: {  	vm1 =	vlt.s32 v9, v7  }
0x252: {  	v8 =	vnsel vm1, $0xFF800000, v8  }
0x253: {  	[tilespmem:s20+$0x0] =	vst v8;
	s20 =	simm.s32 $0x1A710  }
0x254: {  	s22 =	sadd.s32 $0xFFFFFFFF, s21;
	p1 =	por $0x1, $0x1;
	s21 =	simm.s32 $0x0;
	v8 =	vld [tilespmem:s20+$0x0]  }
.LBB2_40:
0x255: {  	p2 =	sne.s32 s22, $0x1  }
0x256: {  	s21 =	sadd.s32 $0x10, s21  }
.Ltmp24:
0x257: {  	v9 =	vor.u32 s21, v3;
	(pc) =	sbr.rel @p2 .LBB2_40-.Ltmp24, $4  }
0x258: {  	vm1 =	vlt.s32 v9, v7  }
0x259: {  	v8 =	vnsel vm1, $0xFF800000, v8  }
0x25a: {  	[tilespmem:s20+$0x0] =	vst v8;
	s20 =	sadd.s32 $0x10, s20  }
0x25b: {  	s22 =	sadd.s32 $0xFFFFFFFF, s22;
	v8 =	vld [tilespmem:s20+$0x0]  }
.LBB2_41:
0x25c: {  	s21 =	sadd.s32 @p1 $0x10, s21  }
0x25d: {  	s19 =	smov.u32 @p1 s21  }
0x25e: {  	v9 =	vor.u32 s19, v3  }
0x25f: {  	vm1 =	vlt.s32 v9, v7  }
0x260: {  	v7 =	vnsel vm1, $0xFF800000, v8  }
0x261: {  	[tilespmem:s20+$0x0] =	vst v7  }
.LBB2_42:
.Ltmp25:
0x262: {  	(pc) =	sbr.rel .LBB2_43-.Ltmp25, $2  }
0x263: {  	_ =	sdelay $0x2  }
0x264: {  	s19 =	simm.s32 $0x0  }
.LBB2_44:
0x265: {  	v8 =	vor.u32 $0x80000000, v3  }
.LBB2_51:
0x266: {  	(xrf0) =	vmax.scan.msk.f32 $0xffff, v7;
	_ =	sdelay $0x5  }
0x267: {  	v9, _, _ =	vpop (xrf0)  }
0x268: {  	v9 =	vbroadcast v9, $0xF;
	_ =	sdelay $0x1  }
0x269: {  	vm1 =	veq.f32 v7, v9  }
0x26a: {  	v7 =	vnsel vm1, $0xC0000000, v8  }
0x26b: {  	(xrf0) =	vmin.scan.msk.u32 $0xffff, v7;
	_ =	sdelay $0x5  }
0x26c: {  	v7, _, _ =	vpop (xrf0)  }
0x26d: {  	(v2sf) =	vpush v7, $0xF;
	_ =	sdelay $0xe  }
0x26e: {  	s20 =	spop (v2sf)  }
0x26f: {  	s20 =	sxor.u32 $0x80000000, s20  }
0x270: {  	v7 =	vmov s20;
	_ =	sdelay $0x3  }
0x271: {  	v8 =	vmov s19;
	s19 =	sadd.s32 $0x1, s19  }
0x272: {  	p1 =	sne.s32 s19, $0x40;
	v10 =	vld.idx.msk [tilespmem:v7+s12+$0x0], $0xffff  }
.Ltmp26:
0x273: {  	_ = 	snop;
	(pc) =	sbr.rel @!p1 .LBB2_52-.Ltmp26, $4  }
0x274: {  	v9 =	vadd.f32 $0.0e+00, v9  }
0x275: {  	[tilespmem:v7+s11+$0x0] =	vst.idx.msk $0x1, v4  }
0x276: {  	[tilespmem:v8+s13+$0x0] =	vst.idx.msk $0x1, v9  }
0x277: {  	[tilespmem:v8+s14+$0x0] =	vst.idx.msk $0x1, v10  }
.LBB2_43:
.Ltmp27:
0x278: {  	(pc) =	sbr.rel @p0 .LBB2_44-.Ltmp27, $2  }
0x279: {  	_ =	sdelay $0x2  }
0x27a: {  	v7 =	vimm.f32 $-Inf  }
0x27b: {  	p2 =	sne.s32 s18, $0x1  }
.Ltmp28:
0x27c: {  	_ = 	snop;
	(pc) =	sbr.rel @!p2 .LBB2_46-.Ltmp28, $2  }
0x27d: {  	_ =	sdelay $0x2  }
0x27e: {  	v8 =	vimm.s32 $0x0;
	s21 =	simm.s32 $0x1A700;
	s20 =	simm.s32 $0x1;
	p1 =	por $0x0, $0x0  }
0x27f: {  	v9 =	vld [tilespmem:s21+$0x0];
	p2 =	sne.s32 s18, $0x2  }
.Ltmp29:
0x280: {  	_ = 	snop;
	(pc) =	sbr.rel @!p2 .LBB2_48-.Ltmp29, $3  }
0x281: {  	_ =	sdelay $0x1  }
0x282: {  	s23 =	simm.s32 $0x2  }
0x283: {  	s21 =	simm.s32 $0x1A710;
	p1 =	por $0x1, $0x1;
	v10 =	vimm.f32 $-Inf;
	s22 =	simm.s32 $0x0;
	v11 =	vimm.s32 $0x0;
	vm1 =	vgt.f32 v9, v7  }
.LBB2_49:
0x284: {  	v11 =	vsel vm1, s22, v11;
	s22 =	smov.u32 s20;
	s20 =	smov.u32 s23;
	s23 =	sadd.s32 $0x1, s23  }
0x285: {  	v10 =	vsel vm1, v9, v10;
	v9 =	vld [tilespmem:s21+$0x0];
	p2 =	sne.s32 s18, s23  }
.Ltmp30:
0x286: {  	(pc) =	sbr.rel @p2 .LBB2_49-.Ltmp30, $2  }
0x287: {  	_ =	sdelay $0x2  }
0x288: {  	s21 =	sadd.s32 $0x10, s21;
	vm1 =	vgt.f32 v9, v10  }
.LBB2_50:
0x289: {  	v12 =	vld [tilespmem:s21+$0x0];
	_ =	sdelay $0x2  }
0x28a: {  	v9 =	vsel @p1 vm1, v9, v10  }
.Ltmp31:
0x28b: {  	v10 =	vsel @p1 vm1, s22, v11;
	v7 =	vpsel p1, v9, v7;
	(pc) =	sbr.rel .LBB2_51-.Ltmp31, $4  }
0x28c: {  	v8 =	vpsel p1, v10, v8;
	vm1 =	vgt.f32 v12, v7  }
0x28d: {  	v8 =	vsel vm1, s20, v8  }
0x28e: {  	v9 =	vor.u32 $0x80000000, v3;
	v8 =	vshll.u32 v8, $0x4  }
0x28f: {  	v7 =	vsel vm1, v12, v7;
	v8 =	vxor.u32 v9, v8  }
.LBB2_46:
.Ltmp32:
0x290: {  	(pc) =	sbr.rel .LBB2_50-.Ltmp32, $2  }
0x291: {  	_ =	sdelay $0x2  }
0x292: {  	v10 =	vimm.f32 $-Inf;
	v11 =	vimm.s32 $0x0;
	s20 =	simm.s32 $0x0  }
.LBB2_48:
.Ltmp33:
0x293: {  	(pc) =	sbr.rel .LBB2_50-.Ltmp33, $2  }
0x294: {  	_ =	sdelay $0x2  }
0x295: {  	v10 =	vimm.f32 $-Inf;
	s22 =	simm.s32 $0x0;
	v11 =	vimm.s32 $0x0  }
.LBB2_37:
.Ltmp34:
0x296: {  	(pc) =	sbr.rel .LBB2_41-.Ltmp34, $2  }
0x297: {  	_ =	sdelay $0x2  }
0x298: {  	s21 =	simm.s32 $0x0  }
.LBB2_39:
.Ltmp35:
0x299: {  	(pc) =	sbr.rel .LBB2_41-.Ltmp35, $2  }
0x29a: {  	_ =	sdelay $0x2  }
0x29b: {  	s21 =	simm.s32 $0x0  }
.LBB2_53:
0x29c: {  	_ =	sfence.sel $0x180000  }
0x29d: {  	[bflag:$0x0] =	sbarrier.arrive $0xFFFF  }
0x29e: {  	p0 =	sne.s32 s1, $0x0;
	_ =	strace $0x90000047  }
0x29f: {  	s0 =	sadd.s32 @!p0 $0x100000, s0;
	[bflag:$0x2] =	sbarrier.arrive $0xFFFF  }
0x2a0: {  	[sflag:s0] =	ssyncadd.tile.s32 @!p0 $0x1;
	_ =	shalt  }
.Lfunc_end2:
_tile_overlayer_lowered:
.L_overlay_start_2:
0x2a1: {  	(tag) =	ssettag $0x2  }
0x2a2: {  	s0 =	rddreg [dreg:$0x0];
	s2 =	stileid.u32  }
0x2a3: {  	s1 =	rddreg [dreg:$0x1];
	p0 =	sne.s32 s2, $0x0  }
0x2a4: {  	s3 =	rddreg [dreg:$0x2];
	[bflag:$0x3] =	sbarrier.arrive $0xFFFF;
	s2 =	simm.s32 @!p0 $0x1C02  }
0x2a5: {  	[timem:s3], [sflag:s2] =	dma.local @!p0 [hbm:s0], s1  }
0x2a6: {  	s0 =	simm.s32 @!p0 $0x2  }
0x2a7: {  	_ =	swait.ge @!p0 [sflag:s0], s1  }
0x2a8: {  	s1 =	ssub.s32 @!p0 $0x0, s1;
	[sflag:s0] =	ssyncset.done @!p0 $0x0  }
0x2a9: {  	[sflag:s0] =	ssyncadd.s32 @!p0 s1  }
0x2aa: {  	[bflag:$0x3] =	sbarrier.arrive $0xFFFF  }
0x2ab: {  	_ =	shalt  }

</sc_bundles>
